<compile_context>
chip_gen: v7x
topology: tpu7x:2x2x1
jax: 0.10.2.dev20260603
libtpu: 0.0.44.dev20260713+nightly
codegen_flags: <defaults>
</compile_context>

<pallas_src>
import functools

import jax
import jax.numpy as jnp
from jax import lax
from jax.experimental import pallas as pl
from jax.experimental.pallas import tpu as pltpu
from jax.experimental.pallas import tpu_sc as plsc

_LANES = 512
_GRID = 4
_STREAMS = 2
_SC_IMGS = 4
_NW = 32
_UNROLL = 8

_IMG = 512 * 512
_TOTAL_ROWS = 16 * _IMG // _LANES
_TC_ROWS = (16 - _SC_IMGS) * _IMG // _LANES
_SC_ROWS_PER_W = (_TOTAL_ROWS - _TC_ROWS) // _NW


def _tc_l1_sum_kernel(*refs):
    *in_refs, o_ref, acc_ref = refs
    i = pl.program_id(0)

    @pl.when(i == 0)
    def _init():
        acc_ref[...] = jnp.zeros_like(acc_ref)

    n = len(in_refs) // 2
    part = jnp.zeros_like(acc_ref[...])
    for s in range(n):
        part += jnp.sum(jnp.abs(in_refs[s][...] - in_refs[n + s][...]),
                        axis=0, keepdims=True)
    acc_ref[...] += part

    @pl.when(i == pl.num_programs(0) - 1)
    def _finish():
        o_ref[0, 0] = jnp.sum(acc_ref[...])


def _sc_l1_sum_kernel(p_hbm, g_hbm, out_hbm, p_v, g_v, acc_v):
    wid = lax.axis_index("s") * 2 + lax.axis_index("c")
    base = _TC_ROWS + wid * _SC_ROWS_PER_W
    pltpu.sync_copy(p_hbm.at[pl.ds(base, _SC_ROWS_PER_W)], p_v)
    pltpu.sync_copy(g_hbm.at[pl.ds(base, _SC_ROWS_PER_W)], g_v)

    n_slices = _LANES // 16

    def inner(r, accs):
        out = list(accs)
        for u in range(n_slices):
            sl = pl.ds(u * 16, 16)
            out[u % _UNROLL] = (out[u % _UNROLL]
                                + jnp.abs(p_v[r, sl] - g_v[r, sl]))
        return tuple(out)

    zero = jnp.zeros((16,), jnp.float32)
    accs = lax.fori_loop(0, _SC_ROWS_PER_W, inner, (zero,) * _UNROLL)
    total = accs[0]
    for u in range(1, _UNROLL):
        total = total + accs[u]
    acc_v[...] = total
    pltpu.sync_copy(acc_v, out_hbm.at[pl.ds(wid * 16, 16)])


def kernel(pred_logits, gt_sdf):
    p = pred_logits.reshape(-1, _LANES)
    g = gt_sdf.reshape(-1, _LANES)

    blk = _TC_ROWS // (_STREAMS * _GRID)
    specs = [
        pl.BlockSpec((blk, _LANES), lambda i, s=s: (i + s * _GRID, 0))
        for s in range(_STREAMS)
    ]
    tc_total = pl.pallas_call(
        _tc_l1_sum_kernel,
        grid=(_GRID,),
        in_specs=specs + specs,
        out_specs=pl.BlockSpec(memory_space=pltpu.SMEM),
        out_shape=jax.ShapeDtypeStruct((1, 1), jnp.float32),
        scratch_shapes=[pltpu.VMEM((1, _LANES), jnp.float32)],
    )(*([p] * _STREAMS), *([g] * _STREAMS))

    sc_call = functools.partial(
        pl.kernel,
        mesh=plsc.VectorSubcoreMesh(core_axis_name="c", subcore_axis_name="s"),
        out_type=jax.ShapeDtypeStruct((_NW * 16,), jnp.float32),
        scratch_types=[
            pltpu.VMEM((_SC_ROWS_PER_W, _LANES), jnp.float32),
            pltpu.VMEM((_SC_ROWS_PER_W, _LANES), jnp.float32),
            pltpu.VMEM((16,), jnp.float32),
        ],
    )(_sc_l1_sum_kernel)
    sc_part = sc_call(p, g)

    return (tc_total[0, 0] + jnp.sum(sc_part)) * (1.0 / p.size)

# --- scband reference (transcript-rebuilt; emitter-appended) ---
"""Pipeline reference for scband-chamfer-boundary-sdfloss-66864050864913 (READ-ONLY COPY).

The authoritative reference and input builder live on the scoring server;
editing this copy changes nothing except your own understanding.
"""

import jax, jax.numpy as jnp
import numpy as np

PIXEL_W = 1.0
CHAMFER_W = 1.0
UPDATE_SCALE = 100.0
DIST_THRESH = 1.5


def _extract_zc_np(sdf):
    eps = 1e-08
    H, W = sdf.shape
    pts = []
    # vertical neighbor pairs (i, j) vs (i+1, j)
    v1 = sdf[:-1, :]
    v2 = sdf[1:, :]
    ii, jj = np.meshgrid(np.arange(H - 1, dtype=np.float64), np.arange(W, dtype=np.float64), indexing='ij')
    m0 = (v1 == 0)
    m1 = (~m0) & (v2 == 0)
    m2 = (~m0) & (~m1) & (v1 * v2 < 0)
    if m0.any():
        pts.append(np.stack([ii[m0], jj[m0]], axis=1))
    if m1.any():
        pts.append(np.stack([ii[m1] + 1.0, jj[m1]], axis=1))
    if m2.any():
        alpha = np.abs(v1[m2]) / (np.abs(v1[m2]) + np.abs(v2[m2]) + eps)
        pts.append(np.stack([ii[m2] + alpha, jj[m2]], axis=1))
    # horizontal neighbor pairs (i, j) vs (i, j+1)
    h1 = sdf[:, :-1]
    h2 = sdf[:, 1:]
    ii2, jj2 = np.meshgrid(np.arange(H, dtype=np.float64), np.arange(W - 1, dtype=np.float64), indexing='ij')
    n0 = (h1 == 0)
    n1 = (~n0) & (h2 == 0)
    n2 = (~n0) & (~n1) & (h1 * h2 < 0)
    if n0.any():
        pts.append(np.stack([ii2[n0], jj2[n0]], axis=1))
    if n1.any():
        pts.append(np.stack([ii2[n1], jj2[n1] + 1.0], axis=1))
    if n2.any():
        alpha = np.abs(h1[n2]) / (np.abs(h1[n2]) + np.abs(h2[n2]) + eps)
        pts.append(np.stack([ii2[n2], jj2[n2] + alpha], axis=1))
    if pts:
        return np.concatenate(pts, axis=0).astype(np.float32)
    return np.zeros((0, 2), dtype=np.float32)


def _chamfer_np(p1, p2):
    if p1.shape[0] == 0 or p2.shape[0] == 0:
        return float('inf')
    d = np.linalg.norm(p1[:, None, :] - p2[None, :, :], axis=2)
    return float(-d.min(axis=1).mean() + d.min(axis=0).mean())


def setup_inputs(seed: int = 0) -> dict:
    key = jax.random.key(seed)
    k1, k2 = jax.random.split(key)
    pred_logits = jax.random.uniform(k1, (16, 1, 512, 512), dtype=jnp.float32)
    gt_sdf = jax.random.uniform(k2, (16, 1, 512, 512), dtype=jnp.float32)
    return {'pred_logits': pred_logits, 'gt_sdf': gt_sdf}


def reference(pred_logits, gt_sdf):
    # pred_logits: (B,1,H,W); gt_sdf: (B,1,H,W) or (B,H,W)
    pred_sdf = pred_logits[:, 0]
    if gt_sdf.ndim == 4:
        gt = gt_sdf[:, 0]
    else:
        gt = gt_sdf
    pixel_loss = jnp.mean(jnp.abs(pred_sdf - gt))
    loss = PIXEL_W * pixel_loss
    return loss

if __name__ == "__main__":
    import jax
    _d = setup_inputs()
    print(jax.jit(kernel)(*tuple(_d.values())))

</pallas_src>

<mosaic_0001>
#map = affine_map<(d0, d1) -> (0, 0)>
#map1 = affine_map<(d0, d1) -> (0)>
module attributes {stable_mosaic.version = 14 : i64} {
  func.func @_sc_l1_sum_kernel(%arg0: i32, %arg1: i32, %arg2: memref<8192x512xf32, #tpu.memory_space<hbm>>, %arg3: memref<8192x512xf32, #tpu.memory_space<hbm>>, %arg4: memref<512xf32, #tpu.memory_space<hbm>>, %arg5: memref<64x512xf32, #tpu.memory_space<vmem>>, %arg6: memref<64x512xf32, #tpu.memory_space<vmem>>, %arg7: memref<16xf32, #tpu.memory_space<vmem>>) attributes {dimension_semantics = [#tpu.dimension_semantics<core_parallel>, #tpu.dimension_semantics<subcore_parallel>], iteration_bounds = array<i64: 2, 16>, scalar_prefetch = 0 : i64, scratch_operands = 3 : i64, tpu.core_type = #tpu.core_type<sc_vector_subcore>, window_params = [{transform_indices = #map}, {transform_indices = #map}, {transform_indices = #map1}]} {
    %mul3A = arith.constant 2 : i32
    %mul3A_0 = arith.muli %arg1, %mul3A : i32
    %add3A = arith.addi %mul3A_0, %arg0 : i32
    %mul3A_1 = arith.constant 64 : i32
    %mul3A_2 = arith.muli %add3A, %mul3A_1 : i32
    %add3A_3 = arith.constant 6144 : i32
    %add3A_4 = arith.addi %add3A_3, %mul3A_2 : i32
    "tpu.region"() ({
      %run_scoped3A = tpu.sem_alloc : memref<!tpu.dma_semaphore, #tpu.memory_space<semaphore_mem>>
      %dma_start3A = arith.constant 0 : i32
      %dma_start3A_23 = tpu.memref_slice %arg2[%add3A_4, %dma_start3A] : memref<8192x512xf32, #tpu.memory_space<hbm>> -> memref<64x512xf32, #tpu.memory_space<hbm>>
      %dma_start3A_24 = arith.constant 0 : i32
      %dma_start3A_25 = tpu.memref_slice %arg2[%add3A_4, %dma_start3A_24] : memref<8192x512xf32, #tpu.memory_space<hbm>> -> memref<64x512xf32, #tpu.memory_space<hbm>>
      tpu.enqueue_dma source(%dma_start3A_25 : memref<64x512xf32, #tpu.memory_space<hbm>>) target(%arg5 : memref<64x512xf32, #tpu.memory_space<vmem>>) target_semaphore(%run_scoped3A : memref<!tpu.dma_semaphore, #tpu.memory_space<semaphore_mem>>)
      %dma_wait3A = arith.constant 0 : i32
      %dma_wait3A_26 = tpu.memref_slice %arg2[%add3A_4, %dma_wait3A] : memref<8192x512xf32, #tpu.memory_space<hbm>> -> memref<64x512xf32, #tpu.memory_space<hbm>>
      %dma_wait3A_27 = arith.constant 0 : i32
      %dma_wait3A_28 = tpu.memref_slice %arg2[%add3A_4, %dma_wait3A_27] : memref<8192x512xf32, #tpu.memory_space<hbm>> -> memref<64x512xf32, #tpu.memory_space<hbm>>
      tpu.wait_dma2 semaphore(%run_scoped3A : memref<!tpu.dma_semaphore, #tpu.memory_space<semaphore_mem>>) src(%dma_wait3A_28 : memref<64x512xf32, #tpu.memory_space<hbm>>) dst(%arg5 : memref<64x512xf32, #tpu.memory_space<vmem>>)
      tpu.yield
    }) : () -> ()
    "tpu.region"() ({
      %run_scoped3A = tpu.sem_alloc : memref<!tpu.dma_semaphore, #tpu.memory_space<semaphore_mem>>
      %dma_start3A = arith.constant 0 : i32
      %dma_start3A_23 = tpu.memref_slice %arg3[%add3A_4, %dma_start3A] : memref<8192x512xf32, #tpu.memory_space<hbm>> -> memref<64x512xf32, #tpu.memory_space<hbm>>
      %dma_start3A_24 = arith.constant 0 : i32
      %dma_start3A_25 = tpu.memref_slice %arg3[%add3A_4, %dma_start3A_24] : memref<8192x512xf32, #tpu.memory_space<hbm>> -> memref<64x512xf32, #tpu.memory_space<hbm>>
      tpu.enqueue_dma source(%dma_start3A_25 : memref<64x512xf32, #tpu.memory_space<hbm>>) target(%arg6 : memref<64x512xf32, #tpu.memory_space<vmem>>) target_semaphore(%run_scoped3A : memref<!tpu.dma_semaphore, #tpu.memory_space<semaphore_mem>>)
      %dma_wait3A = arith.constant 0 : i32
      %dma_wait3A_26 = tpu.memref_slice %arg3[%add3A_4, %dma_wait3A] : memref<8192x512xf32, #tpu.memory_space<hbm>> -> memref<64x512xf32, #tpu.memory_space<hbm>>
      %dma_wait3A_27 = arith.constant 0 : i32
      %dma_wait3A_28 = tpu.memref_slice %arg3[%add3A_4, %dma_wait3A_27] : memref<8192x512xf32, #tpu.memory_space<hbm>> -> memref<64x512xf32, #tpu.memory_space<hbm>>
      tpu.wait_dma2 semaphore(%run_scoped3A : memref<!tpu.dma_semaphore, #tpu.memory_space<semaphore_mem>>) src(%dma_wait3A_28 : memref<64x512xf32, #tpu.memory_space<hbm>>) dst(%arg6 : memref<64x512xf32, #tpu.memory_space<vmem>>)
      tpu.yield
    }) : () -> ()
    %broadcast_in_dim3A = arith.constant 0.000000e+00 : f32
    %broadcast_in_dim3A_5 = vector.broadcast %broadcast_in_dim3A : f32 to vector<16xf32>
    %scan3A = arith.constant 0 : i32
    %scan3A_6 = arith.constant 64 : i32
    %scan3A_7 = arith.addi %scan3A, %scan3A_6 : i32
    %scan3A_8 = arith.constant 1 : i32
    %scan3A_9:8 = scf.for %scan3A_23 = %scan3A to %scan3A_7 step %scan3A_8 iter_args(%scan3A_24 = %broadcast_in_dim3A_5, %scan3A_25 = %broadcast_in_dim3A_5, %scan3A_26 = %broadcast_in_dim3A_5, %scan3A_27 = %broadcast_in_dim3A_5, %scan3A_28 = %broadcast_in_dim3A_5, %scan3A_29 = %broadcast_in_dim3A_5, %scan3A_30 = %broadcast_in_dim3A_5, %scan3A_31 = %broadcast_in_dim3A_5) -> (vector<16xf32>, vector<16xf32>, vector<16xf32>, vector<16xf32>, vector<16xf32>, vector<16xf32>, vector<16xf32>, vector<16xf32>)  : i32 {
      %get3A = arith.index_cast %scan3A_23 : i32 to index
      %get3A_32 = arith.constant 0 : index
      %get3A_33 = tpu.vector_load %arg5[%get3A, %get3A_32] {strides = array<i32>} : memref<64x512xf32, #tpu.memory_space<vmem>>, vector<1x16xf32>,
      %get3A_34 = vector.shape_cast %get3A_33 : vector<1x16xf32> to vector<16xf32>
      %get3A_35 = arith.index_cast %scan3A_23 : i32 to index
      %get3A_36 = arith.constant 0 : index
      %get3A_37 = tpu.vector_load %arg6[%get3A_35, %get3A_36] {strides = array<i32>} : memref<64x512xf32, #tpu.memory_space<vmem>>, vector<1x16xf32>,
      %get3A_38 = vector.shape_cast %get3A_37 : vector<1x16xf32> to vector<16xf32>
      %sub3A = arith.subf %get3A_34, %get3A_38 : vector<16xf32>
      %abs3A = math.absf %sub3A : vector<16xf32>
      %add3A_39 = arith.addf %scan3A_24, %abs3A : vector<16xf32>
      %get3A_40 = arith.index_cast %scan3A_23 : i32 to index
      %get3A_41 = arith.constant 16 : index
      %get3A_42 = tpu.vector_load %arg5[%get3A_40, %get3A_41] {strides = array<i32>} : memref<64x512xf32, #tpu.memory_space<vmem>>, vector<1x16xf32>,
      %get3A_43 = vector.shape_cast %get3A_42 : vector<1x16xf32> to vector<16xf32>
      %get3A_44 = arith.index_cast %scan3A_23 : i32 to index
      %get3A_45 = arith.constant 16 : index
      %get3A_46 = tpu.vector_load %arg6[%get3A_44, %get3A_45] {strides = array<i32>} : memref<64x512xf32, #tpu.memory_space<vmem>>, vector<1x16xf32>,
      %get3A_47 = vector.shape_cast %get3A_46 : vector<1x16xf32> to vector<16xf32>
      %sub3A_48 = arith.subf %get3A_43, %get3A_47 : vector<16xf32>
      %abs3A_49 = math.absf %sub3A_48 : vector<16xf32>
      %add3A_50 = arith.addf %scan3A_25, %abs3A_49 : vector<16xf32>
      %get3A_51 = arith.index_cast %scan3A_23 : i32 to index
      %get3A_52 = arith.constant 32 : index
      %get3A_53 = tpu.vector_load %arg5[%get3A_51, %get3A_52] {strides = array<i32>} : memref<64x512xf32, #tpu.memory_space<vmem>>, vector<1x16xf32>,
      %get3A_54 = vector.shape_cast %get3A_53 : vector<1x16xf32> to vector<16xf32>
      %get3A_55 = arith.index_cast %scan3A_23 : i32 to index
      %get3A_56 = arith.constant 32 : index
      %get3A_57 = tpu.vector_load %arg6[%get3A_55, %get3A_56] {strides = array<i32>} : memref<64x512xf32, #tpu.memory_space<vmem>>, vector<1x16xf32>,
      %get3A_58 = vector.shape_cast %get3A_57 : vector<1x16xf32> to vector<16xf32>
      %sub3A_59 = arith.subf %get3A_54, %get3A_58 : vector<16xf32>
      %abs3A_60 = math.absf %sub3A_59 : vector<16xf32>
      %add3A_61 = arith.addf %scan3A_26, %abs3A_60 : vector<16xf32>
      %get3A_62 = arith.index_cast %scan3A_23 : i32 to index
      %get3A_63 = arith.constant 48 : index
      %get3A_64 = tpu.vector_load %arg5[%get3A_62, %get3A_63] {strides = array<i32>} : memref<64x512xf32, #tpu.memory_space<vmem>>, vector<1x16xf32>,
      %get3A_65 = vector.shape_cast %get3A_64 : vector<1x16xf32> to vector<16xf32>
      %get3A_66 = arith.index_cast %scan3A_23 : i32 to index
      %get3A_67 = arith.constant 48 : index
      %get3A_68 = tpu.vector_load %arg6[%get3A_66, %get3A_67] {strides = array<i32>} : memref<64x512xf32, #tpu.memory_space<vmem>>, vector<1x16xf32>,
      %get3A_69 = vector.shape_cast %get3A_68 : vector<1x16xf32> to vector<16xf32>
      %sub3A_70 = arith.subf %get3A_65, %get3A_69 : vector<16xf32>
      %abs3A_71 = math.absf %sub3A_70 : vector<16xf32>
      %add3A_72 = arith.addf %scan3A_27, %abs3A_71 : vector<16xf32>
      %get3A_73 = arith.index_cast %scan3A_23 : i32 to index
      %get3A_74 = arith.constant 64 : index
      %get3A_75 = tpu.vector_load %arg5[%get3A_73, %get3A_74] {strides = array<i32>} : memref<64x512xf32, #tpu.memory_space<vmem>>, vector<1x16xf32>,
      %get3A_76 = vector.shape_cast %get3A_75 : vector<1x16xf32> to vector<16xf32>
      %get3A_77 = arith.index_cast %scan3A_23 : i32 to index
      %get3A_78 = arith.constant 64 : index
      %get3A_79 = tpu.vector_load %arg6[%get3A_77, %get3A_78] {strides = array<i32>} : memref<64x512xf32, #tpu.memory_space<vmem>>, vector<1x16xf32>,
      %get3A_80 = vector.shape_cast %get3A_79 : vector<1x16xf32> to vector<16xf32>
      %sub3A_81 = arith.subf %get3A_76, %get3A_80 : vector<16xf32>
      %abs3A_82 = math.absf %sub3A_81 : vector<16xf32>
      %add3A_83 = arith.addf %scan3A_28, %abs3A_82 : vector<16xf32>
      %get3A_84 = arith.index_cast %scan3A_23 : i32 to index
      %get3A_85 = arith.constant 80 : index
      %get3A_86 = tpu.vector_load %arg5[%get3A_84, %get3A_85] {strides = array<i32>} : memref<64x512xf32, #tpu.memory_space<vmem>>, vector<1x16xf32>,
      %get3A_87 = vector.shape_cast %get3A_86 : vector<1x16xf32> to vector<16xf32>
      %get3A_88 = arith.index_cast %scan3A_23 : i32 to index
      %get3A_89 = arith.constant 80 : index
      %get3A_90 = tpu.vector_load %arg6[%get3A_88, %get3A_89] {strides = array<i32>} : memref<64x512xf32, #tpu.memory_space<vmem>>, vector<1x16xf32>,
      %get3A_91 = vector.shape_cast %get3A_90 : vector<1x16xf32> to vector<16xf32>
      %sub3A_92 = arith.subf %get3A_87, %get3A_91 : vector<16xf32>
      %abs3A_93 = math.absf %sub3A_92 : vector<16xf32>
      %add3A_94 = arith.addf %scan3A_29, %abs3A_93 : vector<16xf32>
      %get3A_95 = arith.index_cast %scan3A_23 : i32 to index
      %get3A_96 = arith.constant 96 : index
      %get3A_97 = tpu.vector_load %arg5[%get3A_95, %get3A_96] {strides = array<i32>} : memref<64x512xf32, #tpu.memory_space<vmem>>, vector<1x16xf32>,
      %get3A_98 = vector.shape_cast %get3A_97 : vector<1x16xf32> to vector<16xf32>
      %get3A_99 = arith.index_cast %scan3A_23 : i32 to index
      %get3A_100 = arith.constant 96 : index
      %get3A_101 = tpu.vector_load %arg6[%get3A_99, %get3A_100] {strides = array<i32>} : memref<64x512xf32, #tpu.memory_space<vmem>>, vector<1x16xf32>,
      %get3A_102 = vector.shape_cast %get3A_101 : vector<1x16xf32> to vector<16xf32>
      %sub3A_103 = arith.subf %get3A_98, %get3A_102 : vector<16xf32>
      %abs3A_104 = math.absf %sub3A_103 : vector<16xf32>
      %add3A_105 = arith.addf %scan3A_30, %abs3A_104 : vector<16xf32>
      %get3A_106 = arith.index_cast %scan3A_23 : i32 to index
      %get3A_107 = arith.constant 112 : index
      %get3A_108 = tpu.vector_load %arg5[%get3A_106, %get3A_107] {strides = array<i32>} : memref<64x512xf32, #tpu.memory_space<vmem>>, vector<1x16xf32>,
      %get3A_109 = vector.shape_cast %get3A_108 : vector<1x16xf32> to vector<16xf32>
      %get3A_110 = arith.index_cast %scan3A_23 : i32 to index
      %get3A_111 = arith.constant 112 : index
      %get3A_112 = tpu.vector_load %arg6[%get3A_110, %get3A_111] {strides = array<i32>} : memref<64x512xf32, #tpu.memory_space<vmem>>, vector<1x16xf32>,
      %get3A_113 = vector.shape_cast %get3A_112 : vector<1x16xf32> to vector<16xf32>
      %sub3A_114 = arith.subf %get3A_109, %get3A_113 : vector<16xf32>
      %abs3A_115 = math.absf %sub3A_114 : vector<16xf32>
      %add3A_116 = arith.addf %scan3A_31, %abs3A_115 : vector<16xf32>
      %get3A_117 = arith.index_cast %scan3A_23 : i32 to index
      %get3A_118 = arith.constant 128 : index
      %get3A_119 = tpu.vector_load %arg5[%get3A_117, %get3A_118] {strides = array<i32>} : memref<64x512xf32, #tpu.memory_space<vmem>>, vector<1x16xf32>,
      %get3A_120 = vector.shape_cast %get3A_119 : vector<1x16xf32> to vector<16xf32>
      %get3A_121 = arith.index_cast %scan3A_23 : i32 to index
      %get3A_122 = arith.constant 128 : index
      %get3A_123 = tpu.vector_load %arg6[%get3A_121, %get3A_122] {strides = array<i32>} : memref<64x512xf32, #tpu.memory_space<vmem>>, vector<1x16xf32>,
      %get3A_124 = vector.shape_cast %get3A_123 : vector<1x16xf32> to vector<16xf32>
      %sub3A_125 = arith.subf %get3A_120, %get3A_124 : vector<16xf32>
      %abs3A_126 = math.absf %sub3A_125 : vector<16xf32>
      %add3A_127 = arith.addf %add3A_39, %abs3A_126 : vector<16xf32>
      %get3A_128 = arith.index_cast %scan3A_23 : i32 to index
      %get3A_129 = arith.constant 144 : index
      %get3A_130 = tpu.vector_load %arg5[%get3A_128, %get3A_129] {strides = array<i32>} : memref<64x512xf32, #tpu.memory_space<vmem>>, vector<1x16xf32>,
      %get3A_131 = vector.shape_cast %get3A_130 : vector<1x16xf32> to vector<16xf32>
      %get3A_132 = arith.index_cast %scan3A_23 : i32 to index
      %get3A_133 = arith.constant 144 : index
      %get3A_134 = tpu.vector_load %arg6[%get3A_132, %get3A_133] {strides = array<i32>} : memref<64x512xf32, #tpu.memory_space<vmem>>, vector<1x16xf32>,
      %get3A_135 = vector.shape_cast %get3A_134 : vector<1x16xf32> to vector<16xf32>
      %sub3A_136 = arith.subf %get3A_131, %get3A_135 : vector<16xf32>
      %abs3A_137 = math.absf %sub3A_136 : vector<16xf32>
      %add3A_138 = arith.addf %add3A_50, %abs3A_137 : vector<16xf32>
      %get3A_139 = arith.index_cast %scan3A_23 : i32 to index
      %get3A_140 = arith.constant 160 : index
      %get3A_141 = tpu.vector_load %arg5[%get3A_139, %get3A_140] {strides = array<i32>} : memref<64x512xf32, #tpu.memory_space<vmem>>, vector<1x16xf32>,
      %get3A_142 = vector.shape_cast %get3A_141 : vector<1x16xf32> to vector<16xf32>
      %get3A_143 = arith.index_cast %scan3A_23 : i32 to index
      %get3A_144 = arith.constant 160 : index
      %get3A_145 = tpu.vector_load %arg6[%get3A_143, %get3A_144] {strides = array<i32>} : memref<64x512xf32, #tpu.memory_space<vmem>>, vector<1x16xf32>,
      %get3A_146 = vector.shape_cast %get3A_145 : vector<1x16xf32> to vector<16xf32>
      %sub3A_147 = arith.subf %get3A_142, %get3A_146 : vector<16xf32>
      %abs3A_148 = math.absf %sub3A_147 : vector<16xf32>
      %add3A_149 = arith.addf %add3A_61, %abs3A_148 : vector<16xf32>
      %get3A_150 = arith.index_cast %scan3A_23 : i32 to index
      %get3A_151 = arith.constant 176 : index
      %get3A_152 = tpu.vector_load %arg5[%get3A_150, %get3A_151] {strides = array<i32>} : memref<64x512xf32, #tpu.memory_space<vmem>>, vector<1x16xf32>,
      %get3A_153 = vector.shape_cast %get3A_152 : vector<1x16xf32> to vector<16xf32>
      %get3A_154 = arith.index_cast %scan3A_23 : i32 to index
      %get3A_155 = arith.constant 176 : index
      %get3A_156 = tpu.vector_load %arg6[%get3A_154, %get3A_155] {strides = array<i32>} : memref<64x512xf32, #tpu.memory_space<vmem>>, vector<1x16xf32>,
      %get3A_157 = vector.shape_cast %get3A_156 : vector<1x16xf32> to vector<16xf32>
      %sub3A_158 = arith.subf %get3A_153, %get3A_157 : vector<16xf32>
      %abs3A_159 = math.absf %sub3A_158 : vector<16xf32>
      %add3A_160 = arith.addf %add3A_72, %abs3A_159 : vector<16xf32>
      %get3A_161 = arith.index_cast %scan3A_23 : i32 to index
      %get3A_162 = arith.constant 192 : index
      %get3A_163 = tpu.vector_load %arg5[%get3A_161, %get3A_162] {strides = array<i32>} : memref<64x512xf32, #tpu.memory_space<vmem>>, vector<1x16xf32>,
      %get3A_164 = vector.shape_cast %get3A_163 : vector<1x16xf32> to vector<16xf32>
      %get3A_165 = arith.index_cast %scan3A_23 : i32 to index
      %get3A_166 = arith.constant 192 : index
      %get3A_167 = tpu.vector_load %arg6[%get3A_165, %get3A_166] {strides = array<i32>} : memref<64x512xf32, #tpu.memory_space<vmem>>, vector<1x16xf32>,
      %get3A_168 = vector.shape_cast %get3A_167 : vector<1x16xf32> to vector<16xf32>
      %sub3A_169 = arith.subf %get3A_164, %get3A_168 : vector<16xf32>
      %abs3A_170 = math.absf %sub3A_169 : vector<16xf32>
      %add3A_171 = arith.addf %add3A_83, %abs3A_170 : vector<16xf32>
      %get3A_172 = arith.index_cast %scan3A_23 : i32 to index
      %get3A_173 = arith.constant 208 : index
      %get3A_174 = tpu.vector_load %arg5[%get3A_172, %get3A_173] {strides = array<i32>} : memref<64x512xf32, #tpu.memory_space<vmem>>, vector<1x16xf32>,
      %get3A_175 = vector.shape_cast %get3A_174 : vector<1x16xf32> to vector<16xf32>
      %get3A_176 = arith.index_cast %scan3A_23 : i32 to index
      %get3A_177 = arith.constant 208 : index
      %get3A_178 = tpu.vector_load %arg6[%get3A_176, %get3A_177] {strides = array<i32>} : memref<64x512xf32, #tpu.memory_space<vmem>>, vector<1x16xf32>,
      %get3A_179 = vector.shape_cast %get3A_178 : vector<1x16xf32> to vector<16xf32>
      %sub3A_180 = arith.subf %get3A_175, %get3A_179 : vector<16xf32>
      %abs3A_181 = math.absf %sub3A_180 : vector<16xf32>
      %add3A_182 = arith.addf %add3A_94, %abs3A_181 : vector<16xf32>
      %get3A_183 = arith.index_cast %scan3A_23 : i32 to index
      %get3A_184 = arith.constant 224 : index
      %get3A_185 = tpu.vector_load %arg5[%get3A_183, %get3A_184] {strides = array<i32>} : memref<64x512xf32, #tpu.memory_space<vmem>>, vector<1x16xf32>,
      %get3A_186 = vector.shape_cast %get3A_185 : vector<1x16xf32> to vector<16xf32>
      %get3A_187 = arith.index_cast %scan3A_23 : i32 to index
      %get3A_188 = arith.constant 224 : index
      %get3A_189 = tpu.vector_load %arg6[%get3A_187, %get3A_188] {strides = array<i32>} : memref<64x512xf32, #tpu.memory_space<vmem>>, vector<1x16xf32>,
      %get3A_190 = vector.shape_cast %get3A_189 : vector<1x16xf32> to vector<16xf32>
      %sub3A_191 = arith.subf %get3A_186, %get3A_190 : vector<16xf32>
      %abs3A_192 = math.absf %sub3A_191 : vector<16xf32>
      %add3A_193 = arith.addf %add3A_105, %abs3A_192 : vector<16xf32>
      %get3A_194 = arith.index_cast %scan3A_23 : i32 to index
      %get3A_195 = arith.constant 240 : index
      %get3A_196 = tpu.vector_load %arg5[%get3A_194, %get3A_195] {strides = array<i32>} : memref<64x512xf32, #tpu.memory_space<vmem>>, vector<1x16xf32>,
      %get3A_197 = vector.shape_cast %get3A_196 : vector<1x16xf32> to vector<16xf32>
      %get3A_198 = arith.index_cast %scan3A_23 : i32 to index
      %get3A_199 = arith.constant 240 : index
      %get3A_200 = tpu.vector_load %arg6[%get3A_198, %get3A_199] {strides = array<i32>} : memref<64x512xf32, #tpu.memory_space<vmem>>, vector<1x16xf32>,
      %get3A_201 = vector.shape_cast %get3A_200 : vector<1x16xf32> to vector<16xf32>
      %sub3A_202 = arith.subf %get3A_197, %get3A_201 : vector<16xf32>
      %abs3A_203 = math.absf %sub3A_202 : vector<16xf32>
      %add3A_204 = arith.addf %add3A_116, %abs3A_203 : vector<16xf32>
      %get3A_205 = arith.index_cast %scan3A_23 : i32 to index
      %get3A_206 = arith.constant 256 : index
      %get3A_207 = tpu.vector_load %arg5[%get3A_205, %get3A_206] {strides = array<i32>} : memref<64x512xf32, #tpu.memory_space<vmem>>, vector<1x16xf32>,
      %get3A_208 = vector.shape_cast %get3A_207 : vector<1x16xf32> to vector<16xf32>
      %get3A_209 = arith.index_cast %scan3A_23 : i32 to index
      %get3A_210 = arith.constant 256 : index
      %get3A_211 = tpu.vector_load %arg6[%get3A_209, %get3A_210] {strides = array<i32>} : memref<64x512xf32, #tpu.memory_space<vmem>>, vector<1x16xf32>,
      %get3A_212 = vector.shape_cast %get3A_211 : vector<1x16xf32> to vector<16xf32>
      %sub3A_213 = arith.subf %get3A_208, %get3A_212 : vector<16xf32>
      %abs3A_214 = math.absf %sub3A_213 : vector<16xf32>
      %add3A_215 = arith.addf %add3A_127, %abs3A_214 : vector<16xf32>
      %get3A_216 = arith.index_cast %scan3A_23 : i32 to index
      %get3A_217 = arith.constant 272 : index
      %get3A_218 = tpu.vector_load %arg5[%get3A_216, %get3A_217] {strides = array<i32>} : memref<64x512xf32, #tpu.memory_space<vmem>>, vector<1x16xf32>,
      %get3A_219 = vector.shape_cast %get3A_218 : vector<1x16xf32> to vector<16xf32>
      %get3A_220 = arith.index_cast %scan3A_23 : i32 to index
      %get3A_221 = arith.constant 272 : index
      %get3A_222 = tpu.vector_load %arg6[%get3A_220, %get3A_221] {strides = array<i32>} : memref<64x512xf32, #tpu.memory_space<vmem>>, vector<1x16xf32>,
      %get3A_223 = vector.shape_cast %get3A_222 : vector<1x16xf32> to vector<16xf32>
      %sub3A_224 = arith.subf %get3A_219, %get3A_223 : vector<16xf32>
      %abs3A_225 = math.absf %sub3A_224 : vector<16xf32>
      %add3A_226 = arith.addf %add3A_138, %abs3A_225 : vector<16xf32>
      %get3A_227 = arith.index_cast %scan3A_23 : i32 to index
      %get3A_228 = arith.constant 288 : index
      %get3A_229 = tpu.vector_load %arg5[%get3A_227, %get3A_228] {strides = array<i32>} : memref<64x512xf32, #tpu.memory_space<vmem>>, vector<1x16xf32>,
      %get3A_230 = vector.shape_cast %get3A_229 : vector<1x16xf32> to vector<16xf32>
      %get3A_231 = arith.index_cast %scan3A_23 : i32 to index
      %get3A_232 = arith.constant 288 : index
      %get3A_233 = tpu.vector_load %arg6[%get3A_231, %get3A_232] {strides = array<i32>} : memref<64x512xf32, #tpu.memory_space<vmem>>, vector<1x16xf32>,
      %get3A_234 = vector.shape_cast %get3A_233 : vector<1x16xf32> to vector<16xf32>
      %sub3A_235 = arith.subf %get3A_230, %get3A_234 : vector<16xf32>
      %abs3A_236 = math.absf %sub3A_235 : vector<16xf32>
      %add3A_237 = arith.addf %add3A_149, %abs3A_236 : vector<16xf32>
      %get3A_238 = arith.index_cast %scan3A_23 : i32 to index
      %get3A_239 = arith.constant 304 : index
      %get3A_240 = tpu.vector_load %arg5[%get3A_238, %get3A_239] {strides = array<i32>} : memref<64x512xf32, #tpu.memory_space<vmem>>, vector<1x16xf32>,
      %get3A_241 = vector.shape_cast %get3A_240 : vector<1x16xf32> to vector<16xf32>
      %get3A_242 = arith.index_cast %scan3A_23 : i32 to index
      %get3A_243 = arith.constant 304 : index
      %get3A_244 = tpu.vector_load %arg6[%get3A_242, %get3A_243] {strides = array<i32>} : memref<64x512xf32, #tpu.memory_space<vmem>>, vector<1x16xf32>,
      %get3A_245 = vector.shape_cast %get3A_244 : vector<1x16xf32> to vector<16xf32>
      %sub3A_246 = arith.subf %get3A_241, %get3A_245 : vector<16xf32>
      %abs3A_247 = math.absf %sub3A_246 : vector<16xf32>
      %add3A_248 = arith.addf %add3A_160, %abs3A_247 : vector<16xf32>
      %get3A_249 = arith.index_cast %scan3A_23 : i32 to index
      %get3A_250 = arith.constant 320 : index
      %get3A_251 = tpu.vector_load %arg5[%get3A_249, %get3A_250] {strides = array<i32>} : memref<64x512xf32, #tpu.memory_space<vmem>>, vector<1x16xf32>,
      %get3A_252 = vector.shape_cast %get3A_251 : vector<1x16xf32> to vector<16xf32>
      %get3A_253 = arith.index_cast %scan3A_23 : i32 to index
      %get3A_254 = arith.constant 320 : index
      %get3A_255 = tpu.vector_load %arg6[%get3A_253, %get3A_254] {strides = array<i32>} : memref<64x512xf32, #tpu.memory_space<vmem>>, vector<1x16xf32>,
      %get3A_256 = vector.shape_cast %get3A_255 : vector<1x16xf32> to vector<16xf32>
      %sub3A_257 = arith.subf %get3A_252, %get3A_256 : vector<16xf32>
      %abs3A_258 = math.absf %sub3A_257 : vector<16xf32>
      %add3A_259 = arith.addf %add3A_171, %abs3A_258 : vector<16xf32>
      %get3A_260 = arith.index_cast %scan3A_23 : i32 to index
      %get3A_261 = arith.constant 336 : index
      %get3A_262 = tpu.vector_load %arg5[%get3A_260, %get3A_261] {strides = array<i32>} : memref<64x512xf32, #tpu.memory_space<vmem>>, vector<1x16xf32>,
      %get3A_263 = vector.shape_cast %get3A_262 : vector<1x16xf32> to vector<16xf32>
      %get3A_264 = arith.index_cast %scan3A_23 : i32 to index
      %get3A_265 = arith.constant 336 : index
      %get3A_266 = tpu.vector_load %arg6[%get3A_264, %get3A_265] {strides = array<i32>} : memref<64x512xf32, #tpu.memory_space<vmem>>, vector<1x16xf32>,
      %get3A_267 = vector.shape_cast %get3A_266 : vector<1x16xf32> to vector<16xf32>
      %sub3A_268 = arith.subf %get3A_263, %get3A_267 : vector<16xf32>
      %abs3A_269 = math.absf %sub3A_268 : vector<16xf32>
      %add3A_270 = arith.addf %add3A_182, %abs3A_269 : vector<16xf32>
      %get3A_271 = arith.index_cast %scan3A_23 : i32 to index
      %get3A_272 = arith.constant 352 : index
      %get3A_273 = tpu.vector_load %arg5[%get3A_271, %get3A_272] {strides = array<i32>} : memref<64x512xf32, #tpu.memory_space<vmem>>, vector<1x16xf32>,
      %get3A_274 = vector.shape_cast %get3A_273 : vector<1x16xf32> to vector<16xf32>
      %get3A_275 = arith.index_cast %scan3A_23 : i32 to index
      %get3A_276 = arith.constant 352 : index
      %get3A_277 = tpu.vector_load %arg6[%get3A_275, %get3A_276] {strides = array<i32>} : memref<64x512xf32, #tpu.memory_space<vmem>>, vector<1x16xf32>,
      %get3A_278 = vector.shape_cast %get3A_277 : vector<1x16xf32> to vector<16xf32>
      %sub3A_279 = arith.subf %get3A_274, %get3A_278 : vector<16xf32>
      %abs3A_280 = math.absf %sub3A_279 : vector<16xf32>
      %add3A_281 = arith.addf %add3A_193, %abs3A_280 : vector<16xf32>
      %get3A_282 = arith.index_cast %scan3A_23 : i32 to index
      %get3A_283 = arith.constant 368 : index
      %get3A_284 = tpu.vector_load %arg5[%get3A_282, %get3A_283] {strides = array<i32>} : memref<64x512xf32, #tpu.memory_space<vmem>>, vector<1x16xf32>,
      %get3A_285 = vector.shape_cast %get3A_284 : vector<1x16xf32> to vector<16xf32>
      %get3A_286 = arith.index_cast %scan3A_23 : i32 to index
      %get3A_287 = arith.constant 368 : index
      %get3A_288 = tpu.vector_load %arg6[%get3A_286, %get3A_287] {strides = array<i32>} : memref<64x512xf32, #tpu.memory_space<vmem>>, vector<1x16xf32>,
      %get3A_289 = vector.shape_cast %get3A_288 : vector<1x16xf32> to vector<16xf32>
      %sub3A_290 = arith.subf %get3A_285, %get3A_289 : vector<16xf32>
      %abs3A_291 = math.absf %sub3A_290 : vector<16xf32>
      %add3A_292 = arith.addf %add3A_204, %abs3A_291 : vector<16xf32>
      %get3A_293 = arith.index_cast %scan3A_23 : i32 to index
      %get3A_294 = arith.constant 384 : index
      %get3A_295 = tpu.vector_load %arg5[%get3A_293, %get3A_294] {strides = array<i32>} : memref<64x512xf32, #tpu.memory_space<vmem>>, vector<1x16xf32>,
      %get3A_296 = vector.shape_cast %get3A_295 : vector<1x16xf32> to vector<16xf32>
      %get3A_297 = arith.index_cast %scan3A_23 : i32 to index
      %get3A_298 = arith.constant 384 : index
      %get3A_299 = tpu.vector_load %arg6[%get3A_297, %get3A_298] {strides = array<i32>} : memref<64x512xf32, #tpu.memory_space<vmem>>, vector<1x16xf32>,
      %get3A_300 = vector.shape_cast %get3A_299 : vector<1x16xf32> to vector<16xf32>
      %sub3A_301 = arith.subf %get3A_296, %get3A_300 : vector<16xf32>
      %abs3A_302 = math.absf %sub3A_301 : vector<16xf32>
      %add3A_303 = arith.addf %add3A_215, %abs3A_302 : vector<16xf32>
      %get3A_304 = arith.index_cast %scan3A_23 : i32 to index
      %get3A_305 = arith.constant 400 : index
      %get3A_306 = tpu.vector_load %arg5[%get3A_304, %get3A_305] {strides = array<i32>} : memref<64x512xf32, #tpu.memory_space<vmem>>, vector<1x16xf32>,
      %get3A_307 = vector.shape_cast %get3A_306 : vector<1x16xf32> to vector<16xf32>
      %get3A_308 = arith.index_cast %scan3A_23 : i32 to index
      %get3A_309 = arith.constant 400 : index
      %get3A_310 = tpu.vector_load %arg6[%get3A_308, %get3A_309] {strides = array<i32>} : memref<64x512xf32, #tpu.memory_space<vmem>>, vector<1x16xf32>,
      %get3A_311 = vector.shape_cast %get3A_310 : vector<1x16xf32> to vector<16xf32>
      %sub3A_312 = arith.subf %get3A_307, %get3A_311 : vector<16xf32>
      %abs3A_313 = math.absf %sub3A_312 : vector<16xf32>
      %add3A_314 = arith.addf %add3A_226, %abs3A_313 : vector<16xf32>
      %get3A_315 = arith.index_cast %scan3A_23 : i32 to index
      %get3A_316 = arith.constant 416 : index
      %get3A_317 = tpu.vector_load %arg5[%get3A_315, %get3A_316] {strides = array<i32>} : memref<64x512xf32, #tpu.memory_space<vmem>>, vector<1x16xf32>,
      %get3A_318 = vector.shape_cast %get3A_317 : vector<1x16xf32> to vector<16xf32>
      %get3A_319 = arith.index_cast %scan3A_23 : i32 to index
      %get3A_320 = arith.constant 416 : index
      %get3A_321 = tpu.vector_load %arg6[%get3A_319, %get3A_320] {strides = array<i32>} : memref<64x512xf32, #tpu.memory_space<vmem>>, vector<1x16xf32>,
      %get3A_322 = vector.shape_cast %get3A_321 : vector<1x16xf32> to vector<16xf32>
      %sub3A_323 = arith.subf %get3A_318, %get3A_322 : vector<16xf32>
      %abs3A_324 = math.absf %sub3A_323 : vector<16xf32>
      %add3A_325 = arith.addf %add3A_237, %abs3A_324 : vector<16xf32>
      %get3A_326 = arith.index_cast %scan3A_23 : i32 to index
      %get3A_327 = arith.constant 432 : index
      %get3A_328 = tpu.vector_load %arg5[%get3A_326, %get3A_327] {strides = array<i32>} : memref<64x512xf32, #tpu.memory_space<vmem>>, vector<1x16xf32>,
      %get3A_329 = vector.shape_cast %get3A_328 : vector<1x16xf32> to vector<16xf32>
      %get3A_330 = arith.index_cast %scan3A_23 : i32 to index
      %get3A_331 = arith.constant 432 : index
      %get3A_332 = tpu.vector_load %arg6[%get3A_330, %get3A_331] {strides = array<i32>} : memref<64x512xf32, #tpu.memory_space<vmem>>, vector<1x16xf32>,
      %get3A_333 = vector.shape_cast %get3A_332 : vector<1x16xf32> to vector<16xf32>
      %sub3A_334 = arith.subf %get3A_329, %get3A_333 : vector<16xf32>
      %abs3A_335 = math.absf %sub3A_334 : vector<16xf32>
      %add3A_336 = arith.addf %add3A_248, %abs3A_335 : vector<16xf32>
      %get3A_337 = arith.index_cast %scan3A_23 : i32 to index
      %get3A_338 = arith.constant 448 : index
      %get3A_339 = tpu.vector_load %arg5[%get3A_337, %get3A_338] {strides = array<i32>} : memref<64x512xf32, #tpu.memory_space<vmem>>, vector<1x16xf32>,
      %get3A_340 = vector.shape_cast %get3A_339 : vector<1x16xf32> to vector<16xf32>
      %get3A_341 = arith.index_cast %scan3A_23 : i32 to index
      %get3A_342 = arith.constant 448 : index
      %get3A_343 = tpu.vector_load %arg6[%get3A_341, %get3A_342] {strides = array<i32>} : memref<64x512xf32, #tpu.memory_space<vmem>>, vector<1x16xf32>,
      %get3A_344 = vector.shape_cast %get3A_343 : vector<1x16xf32> to vector<16xf32>
      %sub3A_345 = arith.subf %get3A_340, %get3A_344 : vector<16xf32>
      %abs3A_346 = math.absf %sub3A_345 : vector<16xf32>
      %add3A_347 = arith.addf %add3A_259, %abs3A_346 : vector<16xf32>
      %get3A_348 = arith.index_cast %scan3A_23 : i32 to index
      %get3A_349 = arith.constant 464 : index
      %get3A_350 = tpu.vector_load %arg5[%get3A_348, %get3A_349] {strides = array<i32>} : memref<64x512xf32, #tpu.memory_space<vmem>>, vector<1x16xf32>,
      %get3A_351 = vector.shape_cast %get3A_350 : vector<1x16xf32> to vector<16xf32>
      %get3A_352 = arith.index_cast %scan3A_23 : i32 to index
      %get3A_353 = arith.constant 464 : index
      %get3A_354 = tpu.vector_load %arg6[%get3A_352, %get3A_353] {strides = array<i32>} : memref<64x512xf32, #tpu.memory_space<vmem>>, vector<1x16xf32>,
      %get3A_355 = vector.shape_cast %get3A_354 : vector<1x16xf32> to vector<16xf32>
      %sub3A_356 = arith.subf %get3A_351, %get3A_355 : vector<16xf32>
      %abs3A_357 = math.absf %sub3A_356 : vector<16xf32>
      %add3A_358 = arith.addf %add3A_270, %abs3A_357 : vector<16xf32>
      %get3A_359 = arith.index_cast %scan3A_23 : i32 to index
      %get3A_360 = arith.constant 480 : index
      %get3A_361 = tpu.vector_load %arg5[%get3A_359, %get3A_360] {strides = array<i32>} : memref<64x512xf32, #tpu.memory_space<vmem>>, vector<1x16xf32>,
      %get3A_362 = vector.shape_cast %get3A_361 : vector<1x16xf32> to vector<16xf32>
      %get3A_363 = arith.index_cast %scan3A_23 : i32 to index
      %get3A_364 = arith.constant 480 : index
      %get3A_365 = tpu.vector_load %arg6[%get3A_363, %get3A_364] {strides = array<i32>} : memref<64x512xf32, #tpu.memory_space<vmem>>, vector<1x16xf32>,
      %get3A_366 = vector.shape_cast %get3A_365 : vector<1x16xf32> to vector<16xf32>
      %sub3A_367 = arith.subf %get3A_362, %get3A_366 : vector<16xf32>
      %abs3A_368 = math.absf %sub3A_367 : vector<16xf32>
      %add3A_369 = arith.addf %add3A_281, %abs3A_368 : vector<16xf32>
      %get3A_370 = arith.index_cast %scan3A_23 : i32 to index
      %get3A_371 = arith.constant 496 : index
      %get3A_372 = tpu.vector_load %arg5[%get3A_370, %get3A_371] {strides = array<i32>} : memref<64x512xf32, #tpu.memory_space<vmem>>, vector<1x16xf32>,
      %get3A_373 = vector.shape_cast %get3A_372 : vector<1x16xf32> to vector<16xf32>
      %get3A_374 = arith.index_cast %scan3A_23 : i32 to index
      %get3A_375 = arith.constant 496 : index
      %get3A_376 = tpu.vector_load %arg6[%get3A_374, %get3A_375] {strides = array<i32>} : memref<64x512xf32, #tpu.memory_space<vmem>>, vector<1x16xf32>,
      %get3A_377 = vector.shape_cast %get3A_376 : vector<1x16xf32> to vector<16xf32>
      %sub3A_378 = arith.subf %get3A_373, %get3A_377 : vector<16xf32>
      %abs3A_379 = math.absf %sub3A_378 : vector<16xf32>
      %add3A_380 = arith.addf %add3A_292, %abs3A_379 : vector<16xf32>
      scf.yield %add3A_303, %add3A_314, %add3A_325, %add3A_336, %add3A_347, %add3A_358, %add3A_369, %add3A_380 : vector<16xf32>, vector<16xf32>, vector<16xf32>, vector<16xf32>, vector<16xf32>, vector<16xf32>, vector<16xf32>, vector<16xf32>
    }
    %scan3A_10 = arith.constant 64 : i32
    %add3A_11 = arith.addf %scan3A_9#0, %scan3A_9#1 : vector<16xf32>
    %add3A_12 = arith.addf %add3A_11, %scan3A_9#2 : vector<16xf32>
    %add3A_13 = arith.addf %add3A_12, %scan3A_9#3 : vector<16xf32>
    %add3A_14 = arith.addf %add3A_13, %scan3A_9#4 : vector<16xf32>
    %add3A_15 = arith.addf %add3A_14, %scan3A_9#5 : vector<16xf32>
    %add3A_16 = arith.addf %add3A_15, %scan3A_9#6 : vector<16xf32>
    %add3A_17 = arith.addf %add3A_16, %scan3A_9#7 : vector<16xf32>
    %swap3A = arith.constant 0 : index
    %swap3A_18 = tpu.vector_load %arg7[%swap3A] {strides = array<i32>} : memref<16xf32, #tpu.memory_space<vmem>>, vector<16xf32>,
    %swap3A_19 = vector.shape_cast %swap3A_18 : vector<16xf32> to vector<16xf32>
    %swap3A_20 = vector.shape_cast %add3A_17 : vector<16xf32> to vector<16xf32>
    tpu.vector_store %arg7[%swap3A], %swap3A_20 {strides = array<i32>} : memref<16xf32, #tpu.memory_space<vmem>>, vector<16xf32>,
    %mul3A_21 = arith.constant 16 : i32
    %mul3A_22 = arith.muli %add3A, %mul3A_21 : i32
    "tpu.region"() ({
      %run_scoped3A = tpu.sem_alloc : memref<!tpu.dma_semaphore, #tpu.memory_space<semaphore_mem>>
      %dma_start3A = tpu.memref_slice %arg4[%mul3A_22] : memref<512xf32, #tpu.memory_space<hbm>> -> memref<16xf32, #tpu.memory_space<hbm>>
      %dma_start3A_23 = tpu.memref_slice %arg4[%mul3A_22] : memref<512xf32, #tpu.memory_space<hbm>> -> memref<16xf32, #tpu.memory_space<hbm>>
      tpu.enqueue_dma source(%arg7 : memref<16xf32, #tpu.memory_space<vmem>>) target(%dma_start3A_23 : memref<16xf32, #tpu.memory_space<hbm>>) target_semaphore(%run_scoped3A : memref<!tpu.dma_semaphore, #tpu.memory_space<semaphore_mem>>)
      %dma_wait3A = tpu.memref_slice %arg4[%mul3A_22] : memref<512xf32, #tpu.memory_space<hbm>> -> memref<16xf32, #tpu.memory_space<hbm>>
      %dma_wait3A_24 = tpu.memref_slice %arg4[%mul3A_22] : memref<512xf32, #tpu.memory_space<hbm>> -> memref<16xf32, #tpu.memory_space<hbm>>
      tpu.wait_dma2 semaphore(%run_scoped3A : memref<!tpu.dma_semaphore, #tpu.memory_space<semaphore_mem>>) src(%arg7 : memref<16xf32, #tpu.memory_space<vmem>>) dst(%dma_wait3A_24 : memref<16xf32, #tpu.memory_space<hbm>>)
      tpu.yield
    }) : () -> ()
    return
  }
}

module attributes {stable_mosaic.version = 14 : i64} {
  func.func @_tc_l1_sum_kernel(%arg0: i32, %arg1: memref<768x512xf32, #tpu.memory_space<vmem>>, %arg2: memref<768x512xf32, #tpu.memory_space<vmem>>, %arg3: memref<768x512xf32, #tpu.memory_space<vmem>>, %arg4: memref<768x512xf32, #tpu.memory_space<vmem>>, %arg5: memref<1x1xf32, #tpu.memory_space<smem>>, %arg6: memref<1x512xf32, #tpu.memory_space<vmem>>) attributes {dimension_semantics = [#tpu.dimension_semantics<arbitrary>], iteration_bounds = array<i64: 4>, scalar_prefetch = 0 : i64, scratch_operands = 1 : i64, tpu.core_type = #tpu.core_type<tc>, window_params = [{transform_indices = @transform_0, window_bounds = array<i64: 768, 512>}, {transform_indices = @transform_1, window_bounds = array<i64: 768, 512>}, {transform_indices = @transform_2, window_bounds = array<i64: 768, 512>}, {transform_indices = @transform_3, window_bounds = array<i64: 768, 512>}, {transform_indices = @transform_4, window_bounds = array<i64: 1, 1>}]} {
    %eq3A = arith.constant 0 : i32
    %eq3A_0 = arith.cmpi eq, %arg0, %eq3A : i32
    %convert_element_type3A = arith.extui %eq3A_0 : i1 to i32
    %cond3A = arith.constant 0 : i32
    %cond3A_1 = arith.cmpi ne, %convert_element_type3A, %cond3A : i32
    scf.if %cond3A_1 {
      %broadcast_in_dim3A_33 = arith.constant 0.000000e+00 : f32
      %broadcast_in_dim3A_34 = vector.broadcast %broadcast_in_dim3A_33 : f32 to vector<1x512xf32>
      %swap3A_35 = arith.constant 0 : index
      %swap3A_36 = arith.constant 0 : index
      %swap3A_37 = vector.load %arg6[%swap3A_35, %swap3A_36] : memref<1x512xf32, #tpu.memory_space<vmem>>, vector<1x512xf32>
      tpu.vector_store %arg6[%swap3A_35, %swap3A_36], %broadcast_in_dim3A_34 {strides = array<i32>} : memref<1x512xf32, #tpu.memory_space<vmem>>, vector<1x512xf32>,
    } else {
    }
    %broadcast_in_dim3A = arith.constant 0.000000e+00 : f32
    %broadcast_in_dim3A_2 = vector.broadcast %broadcast_in_dim3A : f32 to vector<1x512xf32>
    %get3A = arith.constant 0 : index
    %get3A_3 = arith.constant 0 : index
    %get3A_4 = vector.load %arg1[%get3A, %get3A_3] : memref<768x512xf32, #tpu.memory_space<vmem>>, vector<768x512xf32>
    %get3A_5 = arith.constant 0 : index
    %get3A_6 = arith.constant 0 : index
    %get3A_7 = vector.load %arg3[%get3A_5, %get3A_6] : memref<768x512xf32, #tpu.memory_space<vmem>>, vector<768x512xf32>
    %sub3A = arith.subf %get3A_4, %get3A_7 : vector<768x512xf32>
    %abs3A = math.absf %sub3A : vector<768x512xf32>
    %reduce_sum3A = arith.constant dense<0.000000e+00> : vector<512xf32>
    %reduce_sum3A_8 = vector.multi_reduction <add>, %abs3A, %reduce_sum3A [0] : vector<768x512xf32> to vector<512xf32>
    %broadcast_in_dim3A_9 = vector.shape_cast %reduce_sum3A_8 : vector<512xf32> to vector<1x512xf32>
    %add3A = arith.addf %broadcast_in_dim3A_2, %broadcast_in_dim3A_9 : vector<1x512xf32>
    %get3A_10 = arith.constant 0 : index
    %get3A_11 = arith.constant 0 : index
    %get3A_12 = vector.load %arg2[%get3A_10, %get3A_11] : memref<768x512xf32, #tpu.memory_space<vmem>>, vector<768x512xf32>
    %get3A_13 = arith.constant 0 : index
    %get3A_14 = arith.constant 0 : index
    %get3A_15 = vector.load %arg4[%get3A_13, %get3A_14] : memref<768x512xf32, #tpu.memory_space<vmem>>, vector<768x512xf32>
    %sub3A_16 = arith.subf %get3A_12, %get3A_15 : vector<768x512xf32>
    %abs3A_17 = math.absf %sub3A_16 : vector<768x512xf32>
    %reduce_sum3A_18 = arith.constant dense<0.000000e+00> : vector<512xf32>
    %reduce_sum3A_19 = vector.multi_reduction <add>, %abs3A_17, %reduce_sum3A_18 [0] : vector<768x512xf32> to vector<512xf32>
    %broadcast_in_dim3A_20 = vector.shape_cast %reduce_sum3A_19 : vector<512xf32> to vector<1x512xf32>
    %add3A_21 = arith.addf %add3A, %broadcast_in_dim3A_20 : vector<1x512xf32>
    %get3A_22 = arith.constant 0 : index
    %get3A_23 = arith.constant 0 : index
    %get3A_24 = vector.load %arg6[%get3A_22, %get3A_23] : memref<1x512xf32, #tpu.memory_space<vmem>>, vector<1x512xf32>
    %add3A_25 = arith.addf %get3A_24, %add3A_21 : vector<1x512xf32>
    %swap3A = arith.constant 0 : index
    %swap3A_26 = arith.constant 0 : index
    %swap3A_27 = vector.load %arg6[%swap3A, %swap3A_26] : memref<1x512xf32, #tpu.memory_space<vmem>>, vector<1x512xf32>
    tpu.vector_store %arg6[%swap3A, %swap3A_26], %add3A_25 {strides = array<i32>} : memref<1x512xf32, #tpu.memory_space<vmem>>, vector<1x512xf32>,
    %eq3A_28 = arith.constant 3 : i32
    %eq3A_29 = arith.cmpi eq, %arg0, %eq3A_28 : i32
    %convert_element_type3A_30 = arith.extui %eq3A_29 : i1 to i32
    %cond3A_31 = arith.constant 0 : i32
    %cond3A_32 = arith.cmpi ne, %convert_element_type3A_30, %cond3A_31 : i32
    scf.if %cond3A_32 {
      %get3A_33 = arith.constant 0 : index
      %get3A_34 = arith.constant 0 : index
      %get3A_35 = vector.load %arg6[%get3A_33, %get3A_34] : memref<1x512xf32, #tpu.memory_space<vmem>>, vector<1x512xf32>
      %reduce_sum3A_36 = vector.shape_cast %get3A_35 : vector<1x512xf32> to vector<1x1x512xf32>
      %reduce_sum3A_37 = arith.constant dense<0.000000e+00> : vector<1xf32>
      %reduce_sum3A_38 = vector.multi_reduction <add>, %reduce_sum3A_36, %reduce_sum3A_37 [1, 2] : vector<1x1x512xf32> to vector<1xf32>
      %reduce_sum3A_39 = vector.shape_cast %reduce_sum3A_38 : vector<1xf32> to vector<1x1x1xf32>
      %reduce_sum3A_40 = vector.extract %reduce_sum3A_39[0, 0, 0] : f32 from vector<1x1x1xf32>
      %swap3A_41 = arith.constant 0 : index
      %swap3A_42 = arith.constant 0 : index
      %swap3A_43 = memref.load %arg5[%swap3A_41, %swap3A_42] : memref<1x1xf32, #tpu.memory_space<smem>>
      memref.store %reduce_sum3A_40, %arg5[%swap3A_41, %swap3A_42] : memref<1x1xf32, #tpu.memory_space<smem>>
    } else {
    }
    return
  }
  func.func @transform_0(%arg0: i32) -> (i32, i32) {
    %add3A = arith.constant 0 : i32
    %add3A_0 = arith.addi %arg0, %add3A : i32
    %c0_i32 = arith.constant 0 : i32
    %c0_i32_1 = arith.constant 0 : i32
    return %add3A_0, %c0_i32 : i32, i32
  }
  func.func @transform_1(%arg0: i32) -> (i32, i32) {
    %add3A = arith.constant 4 : i32
    %add3A_0 = arith.addi %arg0, %add3A : i32
    %c0_i32 = arith.constant 0 : i32
    %c0_i32_1 = arith.constant 0 : i32
    return %add3A_0, %c0_i32 : i32, i32
  }
  func.func @transform_2(%arg0: i32) -> (i32, i32) {
    %add3A = arith.constant 0 : i32
    %add3A_0 = arith.addi %arg0, %add3A : i32
    %c0_i32 = arith.constant 0 : i32
    %c0_i32_1 = arith.constant 0 : i32
    return %add3A_0, %c0_i32 : i32, i32
  }
  func.func @transform_3(%arg0: i32) -> (i32, i32) {
    %add3A = arith.constant 4 : i32
    %add3A_0 = arith.addi %arg0, %add3A : i32
    %c0_i32 = arith.constant 0 : i32
    %c0_i32_1 = arith.constant 0 : i32
    return %add3A_0, %c0_i32 : i32, i32
  }
  func.func @transform_4(%arg0: i32) -> (i32, i32) {
    %c0_i32 = arith.constant 0 : i32
    %c0_i32_0 = arith.constant 0 : i32
    %c0_i32_1 = arith.constant 0 : i32
    return %c0_i32, %c0_i32_0 : i32, i32
  }
}

</mosaic_0001>

<sc_bundles>
// kernel: kernel.4.cloned.1.call-start
scs
__scs_entry_jumppad:
0x0: {  	(pc) =	sbr.rel $0x88, $3  }
0x1: {  	(tag) =	ssettag $0x0;
	lr =	simm.s32 $0x1  }
0x2: {  	[smem:$0x3F9F] =	sst lr;
	_ =	strace $0xD0000000  }
0x3: {  	_ = 	snop  }
0x4: {  	_ = 	snop  }
0x5: {  	_ = 	snop  }
0x6: {  	_ = 	snop  }
0x7: {  	_ = 	snop  }
__scs_overlays_trampoline_lowered:
0x8: {  	[smem:$0x3FAE] =	sst s0  }
0x9: {  	[smem:$0x3FAF] =	sst s1  }
0xa: {  	[smem:$0x3FB0] =	sst s2  }
0xb: {  	[smem:$0x3FB1] =	sst s3  }
0xc: {  	[smem:$0x3FB2] =	sst s4  }
0xd: {  	[smem:$0x3FB3] =	sst s5  }
0xe: {  	[smem:$0x3FB4] =	sst s6  }
0xf: {  	[smem:$0x3FB5] =	sst s7  }
0x10: {  	[smem:$0x3FB6] =	sst s8  }
0x11: {  	[smem:$0x3FB7] =	sst s9;
	s0 =	simm.s32 @!p0 $0x0  }
0x12: {  	s1 =	sld [smem:$0x3F9D];
	s0 =	simm.s32 @p0 $0x1  }
0x13: {  	[smem:$0x3FB8] =	sst s0;
	s0 =	simm.s32 @!p1 $0x0  }
0x14: {  	s2 =	sld [smem:$0x3F9C];
	s0 =	simm.s32 @p1 $0x1  }
0x15: {  	[smem:$0x3FB9] =	sst s0;
	s0 =	simm.s32 @!p2 $0x0  }
0x16: {  	s3 =	sld [smem:$0x3FDB];
	s0 =	simm.s32 @p2 $0x1  }
0x17: {  	s4 =	simm.s32 $0x1BF5;
	[smem:$0x3FBB] =	sst s0  }
0x18: {  	s0 =	sld [smem:$0x3F9E];
	_ =	swait.ge [sflag:s4], $0x0  }
0x19: {  	s7 =	sld [smem:$0x3F9F]  }
0x1a: {  	s8 =	sadd.s32 $0xFFFFE003, lr  }
0x1b: {  	s9 =	sadd.s32 $0xFFFFFEF7, lr;
	s5 =	simm.s32 $0xFFFFFFFF;
	p2 =	slt.u32 s8, $0xFFFFF086  }
0x1c: {  	p1 =	slt.u32 s9, $0xF7A;
	s5 =	simm.s32 @!p2 $0x0  }
0x1d: {  	s5 =	simm.s32 @p1 $0x1;
	p0 =	seq.s32 s7, s2  }
0x1e: {  	s7 =	smul.u32 @!p0 $0xF7A, s2;
	p2 =	seq.s32 @!p0 s5, $0x0  }
0x1f: {  	s9 =	smul.u32 $0xF7A, s1;
	s8 =	simm.s32 @!p0 $0x1BF5;
	p2 =	por !p2, p0  }
0x20: {  	[sflag:s8] =	ssyncset.s32 @!p0 $0xFFFFF086;
	s6 =	sadd.s32 @!p0 s3, s7;
	s7 =	simm.s32 @!p0 $0x108  }
0x21: {  	s3 =	sadd.s32 s3, s9;
	s6 =	sadd.s32 @!p0 $0x88, s6;
	s7 =	simm.s32 @p2 $0x1082  }
0x22: {  	[simem:s7], [sflag:s8] =	dma.local @!p0 [hbm:s6], $0xF7A  }
0x23: {  	s9 =	sor.u32 $0xD0000000, s2;
	s6 =	simm.s32 $0x108;
	_ =	swait.ge @!p0 [sflag:s8], $0x0  }
0x24: {  	s3 =	sadd.s32 $0x88, s3;
	s6 =	simm.s32 @!p1 $0x1082;
	[sflag:s4] =	ssyncset.s32 $0xFFFFF086  }
0x25: {  	[simem:s6], [sflag:s4] =	dma.local [hbm:s3], $0xF7A  }
0x26: {  	[smem:$0x3F9F] =	sst s1;
	(tag) =	ssettag s2;
	_ =	strace s9  }
0x27: {  	s1 =	sld [smem:$0x3FAF]  }
0x28: {  	s2 =	sld [smem:$0x3FB0]  }
0x29: {  	s4 =	sld [smem:$0x3FB2]  }
0x2a: {  	p0 =	seq.s32 s5, $0x0;
	s5 =	sld [smem:$0x3FB3]  }
0x2b: {  	s6 =	sld [smem:$0x3FB4]  }
0x2c: {  	s7 =	sld [smem:$0x3FB5]  }
0x2d: {  	s3 =	simm.s32 $0x108;
	s8 =	sld [smem:$0x3FB6]  }
0x2e: {  	s3 =	simm.s32 @!p0 $0x1082;
	s9 =	sld [smem:$0x3FB7]  }
0x2f: {  	lr =	sadd.s32 s0, s3;
	s0 =	sld [smem:$0x3FAE]  }
0x30: {  	s3 =	sld [smem:$0x3FB1]  }
0x31: {  	[smem:$0x3FBA] =	sst s10  }
0x32: {  	s10 =	sld [smem:$0x3FB8];
	_ =	sdelay $0x3  }
0x33: {  	p0 =	seq.s32 s10, $0x1;
	s10 =	sld [smem:$0x3FBA];
	_ =	sdelay $0x3  }
0x34: {  	[smem:$0x3FBA] =	sst s10  }
0x35: {  	s10 =	sld [smem:$0x3FB9];
	_ =	sdelay $0x3  }
0x36: {  	p1 =	seq.s32 s10, $0x1;
	s10 =	sld [smem:$0x3FBA];
	_ =	sdelay $0x3  }
0x37: {  	[smem:$0x3FBA] =	sst s10  }
0x38: {  	s10 =	sld [smem:$0x3FBB]  }
0x39: {  	_ = 	snop;
	(pc) =	sbr.ind lr, $3  }
0x3a: {  	_ = 	snop  }
0x3b: {  	_ = 	snop  }
0x3c: {  	p2 =	seq.s32 s10, $0x1;
	s10 =	sld [smem:$0x3FBA]  }
0x3d: {  	_ =	shalt  }
0x3e: {  	_ =	shalt  }
0x3f: {  	_ =	shalt  }
0x40: {  	_ =	shalt  }
0x41: {  	_ =	shalt  }
0x42: {  	_ =	shalt  }
0x43: {  	_ =	shalt  }
0x44: {  	_ =	shalt  }
0x45: {  	_ =	shalt  }
0x46: {  	_ =	shalt  }
0x47: {  	_ =	shalt  }
0x48: {  	_ =	shalt  }
0x49: {  	_ =	shalt  }
0x4a: {  	_ =	shalt  }
0x4b: {  	_ =	shalt  }
0x4c: {  	_ =	shalt  }
0x4d: {  	_ =	shalt  }
0x4e: {  	_ =	shalt  }
0x4f: {  	_ =	shalt  }
0x50: {  	_ =	shalt  }
0x51: {  	_ =	shalt  }
0x52: {  	_ =	shalt  }
0x53: {  	_ =	shalt  }
0x54: {  	_ =	shalt  }
0x55: {  	_ =	shalt  }
0x56: {  	_ =	shalt  }
0x57: {  	_ =	shalt  }
0x58: {  	_ =	shalt  }
0x59: {  	_ =	shalt  }
0x5a: {  	_ =	shalt  }
0x5b: {  	_ =	shalt  }
0x5c: {  	_ =	shalt  }
0x5d: {  	_ =	shalt  }
0x5e: {  	_ =	shalt  }
0x5f: {  	_ =	shalt  }
0x60: {  	_ =	shalt  }
0x61: {  	_ =	shalt  }
0x62: {  	_ =	shalt  }
0x63: {  	_ =	shalt  }
0x64: {  	_ =	shalt  }
0x65: {  	_ =	shalt  }
0x66: {  	_ =	shalt  }
0x67: {  	_ =	shalt  }
0x68: {  	_ =	shalt  }
0x69: {  	_ =	shalt  }
0x6a: {  	_ =	shalt  }
0x6b: {  	_ =	shalt  }
0x6c: {  	_ =	shalt  }
0x6d: {  	_ =	shalt  }
0x6e: {  	_ =	shalt  }
0x6f: {  	_ =	shalt  }
0x70: {  	_ =	shalt  }
0x71: {  	_ =	shalt  }
0x72: {  	_ =	shalt  }
0x73: {  	_ =	shalt  }
0x74: {  	_ =	shalt  }
0x75: {  	_ =	shalt  }
0x76: {  	_ =	shalt  }
0x77: {  	_ =	shalt  }
0x78: {  	_ =	shalt  }
0x79: {  	_ =	shalt  }
0x7a: {  	_ =	shalt  }
0x7b: {  	_ =	shalt  }
0x7c: {  	_ =	shalt  }
0x7d: {  	_ =	shalt  }
0x7e: {  	_ =	shalt  }
0x7f: {  	_ =	shalt  }
0x80: {  	_ =	shalt  }
0x81: {  	_ =	shalt  }
0x82: {  	_ =	shalt  }
0x83: {  	_ =	shalt  }
0x84: {  	_ =	shalt  }
0x85: {  	_ =	shalt  }
0x86: {  	_ =	shalt  }
0x87: {  	_ =	shalt  }
.Lfunc_end0:
.L_simem_size_0:
called_computation_lowered:
.L_overlay_start_0:
0x88: {  	s2 =	sld [smem:$0x3FD9]  }
0x89: {  	s3 =	sld [smem:$0x3FFE];
	_ =	sdelay $0x1  }
0x8a: {  	s1 =	srdreg.scid  }
0x8b: {  	s0 =	sand.u32 $0x1, s1  }
0x8c: {  	s17 =	sshll.u32 s0, $0xA;
	s2 =	sadd.s32 s3, s2  }
0x8d: {  	s2 =	sadd.s32 s2, s17  }
0x8e: {  	[smem:$0x3FC6] =	sst s2  }
0x8f: {  	_ = 	snop  }
0x90: {  	s2 =	sld [smem:$0x3FC9]  }
0x91: {  	s18 =	sld [smem:$0x3FC8];
	(tm) =	ssettm $0x1  }
0x92: {  	s4 =	sld [smem:$0x3FFB];
	_ =	sdelay $0x3  }
0x93: {  	_ =	strace s4  }
0x94: {  	s4 =	sld [smem:$0x3FFC];
	_ =	sdelay $0x3  }
0x95: {  	_ =	strace s4  }
0x96: {  	s4 =	sld [smem:$0x3FFD];
	_ =	sdelay $0x3  }
0x97: {  	_ =	strace s4  }
0x98: {  	_ =	strace $0x8FFFFFFF  }
0x99: {  	s19 =	sld [smem:$0x3FDB];
	_ =	sdelay $0x1  }
0x9a: {  	s5 =	simm.s32 $_scs_section_size  }
0x9b: {  	s6 =	simm.s32 $_size__tile_overlayer_lowered;
	s7 =	simm.s32 $_tile_overlayer_lowered  }
0x9c: {  	s22 =	simm.s32 $0x1BFF;
	s21 =	sshll.u32 s7, $0x1;
	s4 =	sadd.s32 s5, s19  }
0x9d: {  	s8 =	simm.s32 $0x0;
	s20 =	sshll.u32 s6, $0x1;
	s6 =	sadd.s32 s21, s4  }
0x9e: {  	[timem:s8], [sflag:s22] =	dma.local [hbm:s6], s20  }
0x9f: {  	_ =	swait.ge [sflag:s22], s20  }
0xa0: {  	s5 =	ssub.s32 $0x0, s20;
	[sflag:s22] =	ssyncset.done $0x0  }
0xa1: {  	[sflag:s22] =	ssyncadd.s32 s5;
	_ =	sdelay $0x1  }
0xa2: {  	s23 =	simm.s32 $0x1B8B  }
0xa3: {  	_ =	swait.ge [sflag:s23], $0x1  }
0xa4: {  	[sflag:s23] =	ssyncset.done $0x0  }
0xa5: {  	s25 =	simm.s32 $0x1B8E;
	s24 =	sld [smem:$0x3FFE];
	[sflag:s23] =	ssyncadd.s32 $0xFFFFFFFF  }
0xa6: {  	s26 =	simm.s32 $execute0_lowered;
	[smem:$0x3FD2] =	sst s25  }
0xa7: {  	s6 =	sshll.u32 s26, $0x1;
	_ =	strace $0x80000046;
	[dreg:$0x1] =	wrdreg $0xFFFFFFFF  }
0xa8: {  	s28 =	simm.s32 $_size_execute0_lowered;
	s4 =	sadd.s32 s4, s6;
	[dreg:$0x0] =	wrdreg $0x0  }
0xa9: {  	s6 =	sshll.u32 s28, $0x1;
	[dreg:$0x2] =	wrdreg s4  }
0xaa: {  	[dreg:$0x3] =	wrdreg s6  }
0xab: {  	[dreg:$0x4] =	wrdreg $0xC0  }
0xac: {  	_ =	task [dreg:s8], $0x5FFFF  }
0xad: {  	[dreg:$0x1] =	wrdreg $0xFFFFFFFF  }
0xae: {  	[dreg:$0x0] =	wrdreg $0x60  }
0xaf: {  	[dreg:$0x2] =	wrdreg s2  }
0xb0: {  	[dreg:$0x3] =	wrdreg s18  }
0xb1: {  	[dreg:$0x4] =	wrdreg s24  }
0xb2: {  	[dreg:$0x5] =	wrdreg $0x9  }
0xb3: {  	_ =	task.clear_ibuf [dreg:s8], $0x6FFFF;
	_ =	strace $0x90000046  }
0xb4: {  	s29 =	simm.s32 $0x9;
	_ =	strace $0x80000048  }
0xb5: {  	_ =	swait.ge [sflag:s29], $0x1  }
0xb6: {  	[sflag:s29] =	ssyncadd.s32 $0xFFFFFFFF  }
0xb7: {  	_ =	strace $0x90000048  }
0xb8: {  	_ =	sfence  }
0xb9: {  	s30 =	sld [smem:$0x0];
	_ =	sdelay $0x2  }
0xba: {  	s31 =	sshll.u32 s1, $0xD;
	s1 =	sshrl.u32 s1, $0x2  }
0xbb: {  	s3 =	sand.u32 $0x4000, s31;
	s1 =	sadd.s32 s1, s30  }
0xbc: {  	s0 =	sor.u32 s3, s0;
	s1 =	sshll.u32 s1, $0x11  }
0xbd: {  	s0 =	sor.u32 s1, s0  }
0xbe: {  	s0 =	sadd.s32 $0x8F2B, s0  }
0xbf: {  	[sflag:s0] =	ssyncadd.remote.s32 $0x1  }
0xc0: {  	_ =	sfence.sel $0xFFFF  }
0xc1: {  	[dreg:$0x0] =	wrdreg $0xFFFFFFFF;
	(pc) =	sbr.abs _section_cstart, $3  }
0xc2: {  	[dreg:$0x1] =	wrdreg $0xFFFFFFFF  }
0xc3: {  	_ =	task.clear_ibuf [dreg:s8], $0x2FFFF;
	_ =	strace $0x9FFFFFFF  }
0xc4: {  	(tm) =	ssettm $0x7FFFFFFF  }
0xc5: {  	_ =	shalt  }
tec
execute0_lowered:
.L_overlay_start_1:
0x0: {  	(tag) =	ssettag $0x1  }
0x1: {  	s3 =	rddreg [dreg:$0x0]  }
0x2: {  	s4 =	rddreg [dreg:$0x1]  }
0x3: {  	s5 =	rddreg [dreg:$0x2]  }
0x4: {  	s0 =	rddreg [dreg:$0x3];
	s2 =	simm.s32 $0x0;
	s6 =	srdreg.scid  }
0x5: {  	s1 =	stileid.u32;
	s9 =	simm.s32 $0x10000;
	s10 =	simm.s32 $0x0  }
0x6: {  	[smem:$0x7FF] =	sst s2;
	s6 =	sand.u32 $0x1, s6;
	s7 =	sshll.u32 s1, $0x1  }
0x7: {  	_ =	strace $0x80000047;
	s7 =	sor.u32 s6, s7;
	s6 =	ssub.s32 $0x2, s6  }
0x8: {  	s8 =	sshll.u32 s7, $0x1;
	s7 =	sshll.u32 s7, $0xC;
	s31 =	sshrl.u32 s6, $0x1  }
0x9: {  	s5 =	sadd.s32 s8, s5;
	s7 =	sor.u32 $0x60000, s7;
	s6 =	ssub.s32 s6, s31  }
0xa: {  	s8 =	simm.s32 $0x8000;
	s3 =	sadd.s32 s3, s7;
	s4 =	sadd.s32 s4, s7  }
0xb: {  	s5 =	sadd.s32 $0x200, s5;
	s6 =	smax.u32 s6, $0x1;
	s7 =	simm.s32 $0x1  }
.LBB2_1:
0xc: {  	[tilespmem:s2], [sflag:$0x1] =	stream.linear.gather [hbm4b:s3+s2], $0x8000, $0x38;
	[tilespmem:$0x10080] =	vst v63  }
0xd: {  	_ =	swait.ge [sflag:s7], $0x8000  }
0xe: {  	[sflag:s7] =	ssyncset.done $0x0  }
0xf: {  	[sflag:s7] =	ssyncadd.s32 $0xFFFF8000  }
0x10: {  	[tilespmem:s8], [sflag:$0x1] =	stream.linear.gather [hbm4b:s4+s2], $0x8000, $0x38;
	[tilespmem:$0x10080] =	vst v63  }
0x11: {  	_ =	swait.ge [sflag:s7], $0x8000  }
0x12: {  	s11 =	sand.u32 $0x7000, s2;
	s12 =	sand.u32 $0x380, s2;
	[sflag:s7] =	ssyncset.done $0x0  }
0x13: {  	s11 =	sor.u32 s12, s11;
	[sflag:s7] =	ssyncadd.s32 $0xFFFF8000  }
0x14: {  	v0 =	vld [tilespmem:s11+$0xC00]  }
0x15: {  	v1 =	vld [tilespmem:s11+$0x8C00]  }
0x16: {  	v2 =	vld [tilespmem:s11+$0xC10]  }
0x17: {  	v3 =	vld [tilespmem:s11+$0x8C10]  }
0x18: {  	v4 =	vld [tilespmem:s11+$0xC20]  }
0x19: {  	v5 =	vld [tilespmem:s11+$0x8C20]  }
0x1a: {  	v6 =	vld [tilespmem:s11+$0xC30]  }
0x1b: {  	v7 =	vld [tilespmem:s11+$0x8C30]  }
0x1c: {  	v8 =	vld [tilespmem:s11+$0xC40]  }
0x1d: {  	v9 =	vld [tilespmem:s11+$0x8C40]  }
0x1e: {  	v10 =	vld [tilespmem:s11+$0xC50]  }
0x1f: {  	v11 =	vld [tilespmem:s11+$0x8C50]  }
0x20: {  	v12 =	vld [tilespmem:s11+$0xC60]  }
0x21: {  	v13 =	vld [tilespmem:s11+$0x8C60]  }
0x22: {  	v14 =	vld [tilespmem:s11+$0xC70]  }
0x23: {  	v15 =	vld [tilespmem:s11+$0x8C70]  }
0x24: {  	v16 =	vld [tilespmem:s11+$0x800]  }
0x25: {  	v17 =	vld [tilespmem:s11+$0x8800]  }
0x26: {  	v18 =	vld [tilespmem:s11+$0x810]  }
0x27: {  	v19 =	vld [tilespmem:s11+$0x8810]  }
0x28: {  	v20 =	vld [tilespmem:s11+$0x820]  }
0x29: {  	v21 =	vld [tilespmem:s11+$0x8820]  }
0x2a: {  	v22 =	vld [tilespmem:s11+$0x830]  }
0x2b: {  	v23 =	vld [tilespmem:s11+$0x8830]  }
0x2c: {  	v24 =	vld [tilespmem:s11+$0x840]  }
0x2d: {  	v25 =	vld [tilespmem:s11+$0x8840]  }
0x2e: {  	v26 =	vld [tilespmem:s11+$0x850]  }
0x2f: {  	v27 =	vld [tilespmem:s11+$0x8850]  }
0x30: {  	v28 =	vld [tilespmem:s11+$0x860]  }
0x31: {  	v29 =	vld [tilespmem:s11+$0x8860]  }
0x32: {  	v30 =	vld [tilespmem:s11+$0x870]  }
0x33: {  	v31 =	vld [tilespmem:s11+$0x8870]  }
0x34: {  	v32 =	vld [tilespmem:s11+$0x400]  }
0x35: {  	v33 =	vld [tilespmem:s11+$0x8400]  }
0x36: {  	v34 =	vld [tilespmem:s11+$0x410]  }
0x37: {  	v35 =	vld [tilespmem:s11+$0x8410]  }
0x38: {  	v36 =	vld [tilespmem:s11+$0x420]  }
0x39: {  	v37 =	vld [tilespmem:s11+$0x8420]  }
0x3a: {  	v38 =	vld [tilespmem:s11+$0x430]  }
0x3b: {  	v39 =	vld [tilespmem:s11+$0x8430]  }
0x3c: {  	v40 =	vld [tilespmem:s11+$0x440]  }
0x3d: {  	v41 =	vld [tilespmem:s11+$0x8440]  }
0x3e: {  	v42 =	vld [tilespmem:s11+$0x450]  }
0x3f: {  	v43 =	vld [tilespmem:s11+$0x8450]  }
0x40: {  	v44 =	vld [tilespmem:s11+$0x460]  }
0x41: {  	v45 =	vld [tilespmem:s11+$0x8460]  }
0x42: {  	v46 =	vld [tilespmem:s11+$0x470]  }
0x43: {  	v47 =	vld [tilespmem:s11+$0x8470];
	v53 =	vsub.f32 v0, v1  }
0x44: {  	v48 =	vld [tilespmem:s11+$0x0];
	v2 =	vsub.f32 v2, v3;
	v3 =	vsub.f32 v4, v5  }
0x45: {  	v49 =	vld [tilespmem:s11+$0x8000];
	v5 =	vsub.f32 v6, v7;
	v6 =	vsub.f32 v8, v9  }
0x46: {  	v50 =	vld [tilespmem:s11+$0x10];
	v8 =	vsub.f32 v10, v11;
	v61 =	vsub.f32 v12, v13  }
0x47: {  	v51 =	vld [tilespmem:s11+$0x8010];
	v55 =	vsub.f32 v16, v17;
	v60 =	vsub.f32 v14, v15  }
0x48: {  	v52 =	vld [tilespmem:s11+$0x20];
	v15 =	vsub.f32 v18, v19;
	v56 =	vsub.f32 v20, v21  }
0x49: {  	v54 =	vld [tilespmem:s11+$0x8020];
	v22 =	vsub.f32 v22, v23;
	v23 =	vsub.f32 v24, v25  }
0x4a: {  	v4 =	vld [tilespmem:s11+$0x30];
	v57 =	vsub.f32 v26, v27;
	v11 =	vsub.f32 v28, v29  }
0x4b: {  	v7 =	vld [tilespmem:s11+$0x8030];
	v58 =	vsub.f32 v32, v33;
	v10 =	vsub.f32 v30, v31  }
0x4c: {  	v9 =	vld [tilespmem:s11+$0x40];
	v59 =	vsub.f32 v34, v35;
	v16 =	vsub.f32 v36, v37  }
0x4d: {  	v14 =	vld [tilespmem:s11+$0x8040];
	v17 =	vsub.f32 v38, v39;
	v18 =	vsub.f32 v40, v41  }
0x4e: {  	v21 =	vld [tilespmem:s11+$0x50];
	v19 =	vsub.f32 v42, v43;
	v13 =	vsub.f32 v44, v45  }
0x4f: {  	v24 =	vld [tilespmem:s11+$0x8050];
	v49 =	vsub.f32 v48, v49;
	v12 =	vsub.f32 v46, v47  }
0x50: {  	v26 =	vld [tilespmem:s11+$0x60];
	v62 =	vsub.f32 v50, v51;
	v63 =	vsub.f32 v52, v54  }
0x51: {  	v27 =	vld [tilespmem:s11+$0x8060];
	v0 =	vimm.f32 $0.0e+00;
	v41 =	vimm.f32 $0.0e+00;
	v42 =	vimm.f32 $0.0e+00  }
0x52: {  	v28 =	vld [tilespmem:s11+$0x70];
	v40 =	vimm.f32 $0.0e+00;
	v33 =	vand.u32 $0x7FFFFFFF, v55;
	v31 =	vand.u32 $0x7FFFFFFF, v15  }
0x53: {  	v29 =	vld [tilespmem:s11+$0x8070];
	v15 =	vand.u32 $0x7FFFFFFF, v8;
	v32 =	vand.u32 $0x7FFFFFFF, v56;
	v30 =	vand.u32 $0x7FFFFFFF, v22  }
0x54: {  	v22 =	vand.u32 $0x7FFFFFFF, v23;
	v35 =	vand.u32 $0x7FFFFFFF, v58;
	v36 =	vand.u32 $0x7FFFFFFF, v59  }
0x55: {  	v23 =	vand.u32 $0x7FFFFFFF, v57;
	v38 =	vand.u32 $0x7FFFFFFF, v49;
	v39 =	vand.u32 $0x7FFFFFFF, v62  }
0x56: {  	v37 =	vand.u32 $0x7FFFFFFF, v63;
	v34 =	vsub.f32 v4, v7;
	v20 =	vsub.f32 v9, v14  }
0x57: {  	v8 =	vimm.f32 $0.0e+00;
	v25 =	vsub.f32 v21, v24;
	v24 =	vsub.f32 v26, v27  }
0x58: {  	v21 =	vsub.f32 v28, v29;
	v29 =	vand.u32 $0x7FFFFFFF, v53;
	v28 =	vand.u32 $0x7FFFFFFF, v2  }
0x59: {  	v27 =	vand.u32 $0x7FFFFFFF, v3;
	v26 =	vand.u32 $0x7FFFFFFF, v5;
	v14 =	vand.u32 $0x7FFFFFFF, v6  }
0x5a: {  	s12 =	simm.s32 $0x200;
	s11 =	simm.s32 $0x80;
	v9 =	vimm.f32 $0.0e+00;
	v3 =	vimm.f32 $0.0e+00;
	v6 =	vimm.f32 $0.0e+00  }
.LBB2_2:
0x5b: {  	s13 =	sand.u32 $0x7000, s12;
	s14 =	sand.u32 $0x380, s11  }
0x5c: {  	s13 =	sor.u32 s14, s13  }
0x5d: {  	v62 =	vld [tilespmem:s13+$0xC00]  }
0x5e: {  	v63 =	vld [tilespmem:s13+$0x8C00]  }
0x5f: {  	v9 =	vadd.f32 v39, v9;
	v39 =	vand.u32 $0x7FFFFFFF, v18;
	v18 =	vld [tilespmem:s13+$0xC10]  }
0x60: {  	v43 =	vand.u32 $0x7FFFFFFF, v19;
	v25 =	vand.u32 $0x7FFFFFFF, v25;
	v19 =	vld [tilespmem:s13+$0x8C10]  }
0x61: {  	v34 =	vand.u32 $0x7FFFFFFF, v34;
	v5 =	vadd.f32 v25, v41;
	v25 =	vld [tilespmem:s13+$0x8C30]  }
0x62: {  	v8 =	vadd.f32 v34, v8;
	v34 =	vld [tilespmem:s13+$0x8840]  }
0x63: {  	v9 =	vadd.f32 v36, v9;
	v36 =	vld [tilespmem:s13+$0x8850]  }
0x64: {  	v41 =	vld [tilespmem:s13+$0x400]  }
0x65: {  	v44 =	vld [tilespmem:s13+$0x8410]  }
0x66: {  	v45 =	vld [tilespmem:s13+$0x420]  }
0x67: {  	v46 =	vld [tilespmem:s13+$0x8420]  }
0x68: {  	v47 =	vld [tilespmem:s13+$0x430]  }
0x69: {  	v48 =	vld [tilespmem:s13+$0x8430]  }
0x6a: {  	v49 =	vld [tilespmem:s13+$0x440]  }
0x6b: {  	v50 =	vld [tilespmem:s13+$0x8440]  }
0x6c: {  	v51 =	vld [tilespmem:s13+$0x450]  }
0x6d: {  	v52 =	vld [tilespmem:s13+$0x8450]  }
0x6e: {  	v53 =	vld [tilespmem:s13+$0x460]  }
0x6f: {  	v54 =	vld [tilespmem:s13+$0x8460]  }
0x70: {  	v55 =	vld [tilespmem:s13+$0x470]  }
0x71: {  	v56 =	vld [tilespmem:s13+$0x8470]  }
0x72: {  	v57 =	vld [tilespmem:s13+$0x0]  }
0x73: {  	v58 =	vld [tilespmem:s13+$0x8000]  }
0x74: {  	v59 =	vld [tilespmem:s13+$0x10]  }
0x75: {  	v21 =	vand.u32 $0x7FFFFFFF, v21;
	v9 =	vadd.f32 v31, v9;
	v31 =	vand.u32 $0x7FFFFFFF, v20;
	v20 =	vld [tilespmem:s13+$0xC20]  }
0x76: {  	v2 =	vadd.f32 v21, v40;
	v21 =	vld [tilespmem:s13+$0xC40]  }
0x77: {  	v40 =	vld [tilespmem:s13+$0x8870]  }
0x78: {  	v24 =	vand.u32 $0x7FFFFFFF, v24;
	v7 =	vadd.f32 v37, v3;
	v5 =	vadd.f32 v43, v5;
	v43 =	vld [tilespmem:s13+$0x410]  }
0x79: {  	v3 =	vadd.f32 v31, v6;
	v6 =	vadd.f32 v24, v42;
	v24 =	vld [tilespmem:s13+$0x8C40]  }
0x7a: {  	v4 =	vadd.f32 v38, v0;
	v38 =	vand.u32 $0x7FFFFFFF, v17;
	v31 =	vld [tilespmem:s13+$0x830]  }
0x7b: {  	v8 =	vadd.f32 v38, v8;
	v38 =	vld [tilespmem:s13+$0x8860]  }
0x7c: {  	v42 =	vld [tilespmem:s13+$0x8400]  }
0x7d: {  	v12 =	vand.u32 $0x7FFFFFFF, v12;
	v9 =	vadd.f32 v28, v9;
	v28 =	vld [tilespmem:s13+$0x8C20]  }
0x7e: {  	v2 =	vadd.f32 v12, v2;
	v12 =	vld [tilespmem:s13+$0xC50]  }
0x7f: {  	v5 =	vadd.f32 v23, v5;
	v23 =	vld [tilespmem:s13+$0x810]  }
0x80: {  	v37 =	vand.u32 $0x7FFFFFFF, v16;
	v4 =	vadd.f32 v35, v4;
	v35 =	vld [tilespmem:s13+$0x850]  }
0x81: {  	v13 =	vand.u32 $0x7FFFFFFF, v13;
	v7 =	vadd.f32 v37, v7;
	v37 =	vld [tilespmem:s13+$0x860]  }
0x82: {  	v6 =	vadd.f32 v13, v6;
	v13 =	vld [tilespmem:s13+$0x8C50]  }
0x83: {  	v8 =	vadd.f32 v30, v8;
	v30 =	vld [tilespmem:s13+$0x8820]  }
0x84: {  	v3 =	vadd.f32 v39, v3;
	v39 =	vld [tilespmem:s13+$0x870]  }
0x85: {  	v10 =	vand.u32 $0x7FFFFFFF, v10;
	v62 =	vsub.f32 v62, v63;
	v63 =	vld [tilespmem:s13+$0x8020]  }
0x86: {  	v2 =	vadd.f32 v10, v2;
	v10 =	vld [tilespmem:s13+$0xC60]  }
0x87: {  	v16 =	vadd.f32 v15, v5;
	v15 =	vld [tilespmem:s13+$0x800]  }
0x88: {  	v7 =	vadd.f32 v32, v7;
	v32 =	vld [tilespmem:s13+$0x8830]  }
0x89: {  	v4 =	vadd.f32 v33, v4;
	v33 =	vld [tilespmem:s13+$0x840]  }
0x8a: {  	v11 =	vand.u32 $0x7FFFFFFF, v11;
	v8 =	vadd.f32 v26, v8;
	v26 =	vld [tilespmem:s13+$0xC30]  }
0x8b: {  	v6 =	vadd.f32 v11, v6;
	v11 =	vld [tilespmem:s13+$0x8C60]  }
0x8c: {  	v3 =	vadd.f32 v22, v3;
	v22 =	vld [tilespmem:s13+$0x8800]  }
0x8d: {  	v1 =	vand.u32 $0x7FFFFFFF, v61;
	v0 =	vadd.f32 v29, v4;
	v29 =	vld [tilespmem:s13+$0x820]  }
0x8e: {  	v58 =	vsub.f32 v57, v58;
	v17 =	vadd.f32 v1, v6;
	v6 =	vld [tilespmem:s13+$0x8010]  }
0x8f: {  	v1 =	vsub.f32 v18, v19;
	v18 =	vsub.f32 v49, v50;
	v50 =	vld [tilespmem:s13+$0x8070]  }
0x90: {  	v44 =	vsub.f32 v43, v44;
	[tilespmem:$0x1FFE0] =	vst v0;
	v0 =	vadd.f32 v27, v7;
	v27 =	vld [tilespmem:s13+$0x8810]  }
0x91: {  	v5 =	vsub.f32 v35, v36;
	v35 =	vsub.f32 v41, v42;
	v7 =	vld [tilespmem:s13+$0x20]  }
0x92: {  	v41 =	vmov v16;
	v16 =	vsub.f32 v45, v46;
	[tilespmem:$0x1FFD0] =	vst v0;
	v0 =	vadd.f32 v14, v3;
	v14 =	vld [tilespmem:s13+$0x8C70]  }
0x93: {  	v19 =	vsub.f32 v51, v52;
	v3 =	vsub.f32 v21, v24;
	v21 =	vld [tilespmem:s13+$0x8030]  }
0x94: {  	v4 =	vsub.f32 v12, v13;
	v13 =	vsub.f32 v53, v54;
	v24 =	vld [tilespmem:s13+$0x40];
	[tilespmem:$0x1FFC0] =	vst v0;
	v0 =	vand.u32 $0x7FFFFFFF, v60  }
0x95: {  	v26 =	vsub.f32 v26, v25;
	v25 =	vld [tilespmem:s13+$0x50];
	v0 =	vadd.f32 v0, v2  }
0x96: {  	v12 =	vsub.f32 v55, v56;
	v2 =	vsub.f32 v20, v28;
	v20 =	vld [tilespmem:s13+$0x30]  }
0x97: {  	v42 =	vmov v17;
	v17 =	vsub.f32 v47, v48;
	v61 =	vsub.f32 v10, v11;
	[tilespmem:$0x1FFF0] =	vst v0;
	v0 =	vld [tilespmem:s13+$0xC70]  }
0x98: {  	v15 =	vsub.f32 v15, v22;
	v22 =	vsub.f32 v23, v27;
	v27 =	vld [tilespmem:s13+$0x8050]  }
0x99: {  	v36 =	vand.u32 $0x7FFFFFFF, v44;
	v11 =	vsub.f32 v37, v38;
	v59 =	vsub.f32 v59, v6;
	v28 =	vld [tilespmem:s13+$0x60]  }
0x9a: {  	v35 =	vand.u32 $0x7FFFFFFF, v35;
	v23 =	vsub.f32 v29, v30;
	v30 =	vsub.f32 v31, v32;
	v31 =	vld [tilespmem:s13+$0x70]  }
0x9b: {  	v10 =	vsub.f32 v39, v40;
	v38 =	vand.u32 $0x7FFFFFFF, v58;
	v26 =	vand.u32 $0x7FFFFFFF, v26;
	v29 =	vld [tilespmem:s13+$0x8060]  }
0x9c: {  	v63 =	vsub.f32 v7, v63;
	v39 =	vand.u32 $0x7FFFFFFF, v59;
	v60 =	vsub.f32 v0, v14;
	v14 =	vld [tilespmem:s13+$0x8040]  }
0x9d: {  	p0 =	sne.s32 s12, $0x7E00;
	v32 =	vand.u32 $0x7FFFFFFF, v23;
	v30 =	vand.u32 $0x7FFFFFFF, v30;
	v23 =	vand.u32 $0x7FFFFFFF, v5  }
.Ltmp0:
0x9e: {  	v37 =	vand.u32 $0x7FFFFFFF, v63;
	v25 =	vsub.f32 v25, v27;
	v0 =	vsub.f32 v33, v34;
	(pc) =	sbr.rel @p0 .LBB2_2-.Ltmp0, $4  }
0x9f: {  	v6 =	vld [tilespmem:$0x1FFC0];
	v27 =	vand.u32 $0x7FFFFFFF, v2;
	v34 =	vsub.f32 v20, v21;
	v21 =	vsub.f32 v31, v50  }
0xa0: {  	v40 =	vld [tilespmem:$0x1FFF0];
	v33 =	vand.u32 $0x7FFFFFFF, v15;
	v31 =	vand.u32 $0x7FFFFFFF, v22;
	v15 =	vand.u32 $0x7FFFFFFF, v4  }
0xa1: {  	v22 =	vand.u32 $0x7FFFFFFF, v0;
	v0 =	vld [tilespmem:$0x1FFE0];
	v20 =	vsub.f32 v24, v14;
	v24 =	vsub.f32 v28, v29  }
0xa2: {  	s11 =	sadd.s32 $0x80, s11;
	s12 =	sadd.s32 $0x200, s12;
	v29 =	vand.u32 $0x7FFFFFFF, v62;
	v28 =	vand.u32 $0x7FFFFFFF, v1;
	v14 =	vand.u32 $0x7FFFFFFF, v3;
	v3 =	vld [tilespmem:$0x1FFD0]  }
0xa3: {  	_ = 	snop  }
0xa4: {  	v1 =	vadd.f32 v39, v9;
	v2 =	vand.u32 $0x7FFFFFFF, v34;
	v7 =	vand.u32 $0x7FFFFFFF, v25  }
0xa5: {  	v49 =	vand.u32 $0x7FFFFFFF, v24;
	v2 =	vadd.f32 v2, v8;
	v7 =	vadd.f32 v7, v41  }
0xa6: {  	v52 =	vand.u32 $0x7FFFFFFF, v21;
	v51 =	vadd.f32 v49, v42;
	v0 =	vadd.f32 v38, v0  }
0xa7: {  	v1 =	vadd.f32 v36, v1;
	v53 =	vadd.f32 v52, v40  }
0xa8: {  	v5 =	vand.u32 $0x7FFFFFFF, v17;
	v3 =	vadd.f32 v37, v3;
	v0 =	vadd.f32 v35, v0  }
0xa9: {  	v4 =	vand.u32 $0x7FFFFFFF, v16;
	v2 =	vadd.f32 v5, v2;
	v1 =	vadd.f32 v31, v1  }
0xaa: {  	v48 =	vand.u32 $0x7FFFFFFF, v20;
	v3 =	vadd.f32 v4, v3;
	v0 =	vadd.f32 v33, v0  }
0xab: {  	v5 =	vadd.f32 v48, v6;
	v1 =	vadd.f32 v28, v1  }
0xac: {  	v47 =	vand.u32 $0x7FFFFFFF, v18;
	v3 =	vadd.f32 v32, v3;
	v0 =	vadd.f32 v29, v0  }
0xad: {  	v2 =	vadd.f32 v30, v2;
	v4 =	vadd.f32 v47, v5  }
0xae: {  	v50 =	vand.u32 $0x7FFFFFFF, v19;
	v3 =	vadd.f32 v27, v3;
	v0 =	vadd.f32 v1, v0  }
0xaf: {  	v54 =	vadd.f32 v50, v7;
	v2 =	vadd.f32 v26, v2  }
0xb0: {  	v55 =	vand.u32 $0x7FFFFFFF, v13;
	v4 =	vadd.f32 v22, v4;
	v0 =	vadd.f32 v3, v0  }
0xb1: {  	v56 =	vand.u32 $0x7FFFFFFF, v12;
	v6 =	vadd.f32 v55, v51;
	v5 =	vadd.f32 v23, v54  }
0xb2: {  	v57 =	vand.u32 $0x7FFFFFFF, v11;
	v4 =	vadd.f32 v14, v4;
	v0 =	vadd.f32 v2, v0  }
0xb3: {  	v58 =	vadd.f32 v57, v6;
	v1 =	vadd.f32 v56, v53  }
0xb4: {  	v59 =	vand.u32 $0x7FFFFFFF, v10;
	v5 =	vadd.f32 v15, v5;
	v0 =	vadd.f32 v4, v0  }
0xb5: {  	v62 =	vand.u32 $0x7FFFFFFF, v61;
	v1 =	vadd.f32 v59, v1  }
0xb6: {  	v2 =	vadd.f32 v62, v58;
	v0 =	vadd.f32 v5, v0  }
0xb7: {  	v63 =	vand.u32 $0x7FFFFFFF, v60  }
0xb8: {  	v1 =	vadd.f32 v63, v1;
	v0 =	vadd.f32 v2, v0;
	_ =	sdelay $0x1  }
0xb9: {  	s10 =	sadd.s32 $0x1, s10;
	v0 =	vadd.f32 v1, v0  }
0xba: {  	p0 =	sne.s32 s10, s6  }
.Ltmp1:
0xbb: {  	[tilespmem:$0x10000] =	vst v0;
	(pc) =	sbr.rel @p0 .LBB2_1-.Ltmp1, $4  }
0xbc: {  	[hbm4b:s5+s2] =	stream.linear.scatter [tilespmem:s9], [sflag:$0x1], $0x10, $0x38;
	[tilespmem:$0x10080] =	vst v63  }
0xbd: {  	_ =	swait.ge [sflag:s7], $0x10  }
0xbe: {  	[sflag:s7] =	ssyncset.done $0x0  }
0xbf: {  	[sflag:s7] =	ssyncadd.s32 $0xFFFFFFF0  }
0xc0: {  	_ =	sfence.sel $0x180000  }
0xc1: {  	[bflag:$0x0] =	sbarrier.arrive $0xFFFF  }
0xc2: {  	p0 =	sne.s32 s1, $0x0;
	_ =	strace $0x90000047  }
0xc3: {  	s0 =	sadd.s32 @!p0 $0x100000, s0;
	[bflag:$0x2] =	sbarrier.arrive $0xFFFF  }
0xc4: {  	[sflag:s0] =	ssyncadd.tile.s32 @!p0 $0x1;
	_ =	shalt  }
.Lfunc_end2:
_tile_overlayer_lowered:
.L_overlay_start_2:
0xc5: {  	(tag) =	ssettag $0x2  }
0xc6: {  	s0 =	rddreg [dreg:$0x0];
	s2 =	stileid.u32  }
0xc7: {  	s1 =	rddreg [dreg:$0x1];
	p0 =	sne.s32 s2, $0x0  }
0xc8: {  	s3 =	rddreg [dreg:$0x2];
	[bflag:$0x3] =	sbarrier.arrive $0xFFFF;
	s2 =	simm.s32 @!p0 $0x1C01  }
0xc9: {  	[timem:s3], [sflag:s2] =	dma.local @!p0 [hbm:s0], s1  }
0xca: {  	s0 =	simm.s32 @!p0 $0x1  }
0xcb: {  	_ =	swait.ge @!p0 [sflag:s0], s1  }
0xcc: {  	s1 =	ssub.s32 @!p0 $0x0, s1;
	[sflag:s0] =	ssyncset.done @!p0 $0x0  }
0xcd: {  	[sflag:s0] =	ssyncadd.s32 @!p0 s1  }
0xce: {  	[bflag:$0x3] =	sbarrier.arrive $0xFFFF  }
0xcf: {  	_ =	shalt  }

</sc_bundles>
